<compile_context>
chip_gen: v7x
topology: tpu7x:2x2x1
jax: 0.10.2.dev20260603
libtpu: 0.0.44.dev20260713+nightly
codegen_flags: <defaults>
</compile_context>

<pallas_src>
import functools
import jax
import jax.numpy as jnp
from jax import lax
from jax.experimental import pallas as pl
from jax.experimental.pallas import tpu as pltpu
from jax.experimental.pallas import tpu_sc as plsc

N = 10000
E = 320000
D = 128
G = 256

NC = 2
NS = 16
DH = D // 2
CHUNK = 128
CPT = 160
E_PAD = NS * CPT * CHUNK
NA = 10112
RPT = NA // NS
DUMMY = N + 8
NBUF = 6
LEAD = 5


def _sc_aggregate(h2, srcs2, dsts, zrows):
    mesh = plsc.VectorSubcoreMesh(core_axis_name="c", subcore_axis_name="s")

    @functools.partial(
        pl.kernel,
        out_type=jax.ShapeDtypeStruct((NC, NA, DH), jnp.float32),
        mesh=mesh,
        scratch_types=[
            pltpu.VMEM((CPT, CHUNK), jnp.int32),
            pltpu.VMEM((CPT, CHUNK), jnp.int32),
            pltpu.VMEM((NBUF, CHUNK, DH), jnp.float32),
            pltpu.VMEM_SHARED((NA, DH), jnp.float32),
            pltpu.SemaphoreType.DMA((NBUF,)),
            pltpu.SemaphoreType.DMA((NBUF,)),
        ],
        compiler_params=pltpu.CompilerParams(use_tc_tiling_on_sc=False),
    )
    def k(h_hbm, src_hbm, dst_hbm, z_hbm, out_hbm, src_v, dst_v, rows_v,
          acc_sh, gsem, ssem):
        c = lax.axis_index("c")
        s = lax.axis_index("s")
        base = s * RPT

        zcp = pltpu.async_copy(z_hbm, acc_sh.at[pl.ds(base, RPT)],
                               gsem.at[0])

        pltpu.sync_copy(src_hbm.at[pl.ds(s * CPT, CPT)], src_v)
        pltpu.sync_copy(dst_hbm.at[pl.ds(s * CPT, CPT)], dst_v)

        @pl.when(c == 1)
        def _():
            @pl.loop(0, CPT)
            def _(i):
                @pl.loop(0, CHUNK, step=16)
                def _(j):
                    src_v[i, pl.ds(j, 16)] = src_v[i, pl.ds(j, 16)] + 1

        zcp.wait()
        plsc.subcore_barrier()

        @pl.loop(0, CPT + LEAD)
        def _(t):
            b = lax.rem(t, NBUF)

            @pl.when(t >= NBUF)
            def _():
                j = t - NBUF
                pltpu.make_async_copy(rows_v.at[b], acc_sh.at[dst_v.at[j]],
                                      ssem.at[b]).wait()

            @pl.when(t < CPT)
            def _():
                pltpu.async_copy(h_hbm.at[src_v.at[t]], rows_v.at[b],
                                 gsem.at[b])

            u = t - LEAD

            @pl.when(u >= 0)
            def _():
                bu = lax.rem(u, NBUF)
                pltpu.make_async_copy(h_hbm.at[src_v.at[u]], rows_v.at[bu],
                                      gsem.at[bu]).wait()
                pltpu.async_copy(rows_v.at[bu], acc_sh.at[dst_v.at[u]],
                                 ssem.at[bu], add=True)

        @pl.loop(CPT + LEAD, CPT + NBUF)
        def _(t):
            b = lax.rem(t, NBUF)
            j = t - NBUF
            pltpu.make_async_copy(rows_v.at[b], acc_sh.at[dst_v.at[j]],
                                  ssem.at[b]).wait()

        plsc.subcore_barrier()

        pltpu.sync_copy(acc_sh.at[pl.ds(base, RPT)],
                        out_hbm.at[c].at[pl.ds(base, RPT)])

    return k(h2, srcs2, dsts, zrows)


def _tc_layer(x, aggr, batch2d, W1, b1, W2, b2, gamma, beta):

    def body(x_ref, a_ref, b_ref, w1_ref, b1_ref, w2_ref, b2_ref, g_ref,
             be_ref, h_ref, p_ref):
        t = x_ref[...] + jnp.concatenate(
            [a_ref[0, :N, :], a_ref[1, :N, :]], axis=1)
        h1 = jnp.dot(t, w1_ref[...],
                     preferred_element_type=jnp.float32) + b1_ref[...]
        h1 = jnp.maximum(h1, 0.0)
        u = jnp.dot(h1, w2_ref[...],
                    preferred_element_type=jnp.float32) + b2_ref[...]
        u = jnp.maximum(u, 0.0)
        mean = jnp.mean(u, axis=0)
        d = u - mean
        var = jnp.mean(d * d, axis=0)
        h = d * lax.rsqrt(var + 1e-5) * g_ref[...] + be_ref[...]
        h_ref[...] = h
        gids = lax.broadcasted_iota(jnp.int32, (G, N), 0)
        oh = (b_ref[...] == gids).astype(jnp.float32)
        p_ref[...] = jnp.dot(oh, h, preferred_element_type=jnp.float32,
                             precision=lax.Precision.HIGHEST)

    return pl.pallas_call(
        body,
        out_shape=(
            jax.ShapeDtypeStruct((N, D), jnp.float32),
            jax.ShapeDtypeStruct((G, D), jnp.float32),
        ),
        compiler_params=pltpu.CompilerParams(
            vmem_limit_bytes=100 * 1024 * 1024,
        ),
    )(x, aggr, batch2d, W1, b1, W2, b2, gamma, beta)


def kernel(x, edge_index, batch, W1_0, b1_0, W2_0, b2_0, gamma_0, beta_0,
           W1_1, b1_1, W2_1, b2_1, gamma_1, beta_1,
           W1_2, b1_2, W2_2, b2_2, gamma_2, beta_2):
    pad = E_PAD - E
    srcs2 = jnp.concatenate([edge_index[0] * 2, jnp.zeros((pad,), jnp.int32)])
    srcs2 = srcs2.reshape(E_PAD // CHUNK, CHUNK)
    dsts = jnp.concatenate([edge_index[1], jnp.full((pad,), DUMMY, jnp.int32)])
    dsts = dsts.reshape(E_PAD // CHUNK, CHUNK)
    batch2d = batch.reshape(1, N)
    zrows = jnp.zeros((RPT, DH), jnp.float32)

    layers = [
        (W1_0, b1_0, W2_0, b2_0, gamma_0, beta_0),
        (W1_1, b1_1, W2_1, b2_1, gamma_1, beta_1),
        (W1_2, b1_2, W2_2, b2_2, gamma_2, beta_2),
    ]
    h = x
    hs, ps = [], []
    for (W1, b1, W2, b2, g, b_) in layers:
        aggr = _sc_aggregate(h.reshape(2 * N, DH), srcs2, dsts, zrows)
        h, p = _tc_layer(h, aggr, batch2d, W1, b1, W2, b2, g, b_)
        hs.append(h)
        ps.append(p)
    return (jnp.concatenate(ps, axis=1), jnp.concatenate(hs, axis=1))

# --- scband reference (transcript-rebuilt; emitter-appended) ---
"""Pipeline reference for scband-encoder-17386027614470 (READ-ONLY COPY).

The authoritative reference and input builder live on the scoring server;
editing this copy changes nothing except your own understanding.
"""

import jax, jax.numpy as jnp
import numpy as np

N = 10000
E = 320000
F = 128
D = 128
L = 3
G = 256


def setup_inputs(seed: int = 0) -> dict:
    key = jax.random.key(seed)
    ks = jax.random.split(key, 3 + L)
    inp = {}
    inp["x"] = jax.random.normal(ks[0], (N, F), dtype=jnp.float32)
    inp["edge_index"] = jax.random.randint(ks[1], (2, E), 0, N, dtype=jnp.int32)
    inp["batch"] = jnp.sort(jax.random.randint(ks[2], (N,), 0, G, dtype=jnp.int32))
    for i in range(L):
        fin = F if i == 0 else D
        k = jax.random.split(ks[3 + i], 2)
        inp[f"W1_{i}"] = jax.random.normal(k[0], (fin, D), dtype=jnp.float32) * (1.0 / np.sqrt(fin))
        inp[f"b1_{i}"] = jnp.zeros((D,), dtype=jnp.float32)
        inp[f"W2_{i}"] = jax.random.normal(k[1], (D, D), dtype=jnp.float32) * (1.0 / np.sqrt(D))
        inp[f"b2_{i}"] = jnp.zeros((D,), dtype=jnp.float32)
        inp[f"gamma_{i}"] = jnp.ones((D,), dtype=jnp.float32)
        inp[f"beta_{i}"] = jnp.zeros((D,), dtype=jnp.float32)
    return inp


def _gin_layer(x, src, dst, W1, b1, W2, b2, gamma, beta):
    # GINConv (eps=0): nn((1+eps)*x + sum_{j in N(i)} x_j)
    aggr = jax.ops.segment_sum(x[src], dst, num_segments=x.shape[0])
    h = x + aggr
    h = jnp.maximum(h @ W1 + b1, 0.0) @ W2 + b2
    # Encoder applies relu after conv
    h = jnp.maximum(h, 0.0)
    # BatchNorm1d (training mode: batch statistics)
    mean = jnp.mean(h, axis=0)
    var = jnp.var(h, axis=0)
    h = (h - mean) / jnp.sqrt(var + 1e-5) * gamma + beta
    return h


def reference(x, edge_index, batch, W1_0, b1_0, W2_0, b2_0, gamma_0, beta_0, W1_1, b1_1, W2_1, b2_1, gamma_1, beta_1, W1_2, b1_2, W2_2, b2_2, gamma_2, beta_2):
    src = edge_index[0]
    dst = edge_index[1]
    layers = [
        (W1_0, b1_0, W2_0, b2_0, gamma_0, beta_0),
        (W1_1, b1_1, W2_1, b2_1, gamma_1, beta_1),
        (W1_2, b1_2, W2_2, b2_2, gamma_2, beta_2),
    ]
    xs = []
    h = x
    for (W1, b1, W2, b2, g, b_) in layers:
        h = _gin_layer(h, src, dst, W1, b1, W2, b2, g, b_)
        xs.append(h)
    xpool = [jax.ops.segment_sum(t, batch, num_segments=G) for t in xs]
    return (jnp.concatenate(xpool, axis=1), jnp.concatenate(xs, axis=1))

if __name__ == "__main__":
    import jax
    _d = setup_inputs()
    print(jax.jit(kernel)(*tuple(_d.values())))

</pallas_src>

<mosaic_0001>
#map = affine_map<(d0, d1) -> (0, 0)>
#map1 = affine_map<(d0, d1) -> (0, 0, 0)>
module attributes {stable_mosaic.version = 14 : i64} {
  func.func @k(%arg0: i32, %arg1: i32, %arg2: memref<20000x64xf32, #tpu.memory_space<hbm>>, %arg3: memref<2560x128xi32, #tpu.memory_space<hbm>>, %arg4: memref<2560x128xi32, #tpu.memory_space<hbm>>, %arg5: memref<632x64xf32, #tpu.memory_space<hbm>>, %arg6: memref<2x10112x64xf32, #tpu.memory_space<hbm>>, %arg7: memref<160x128xi32, #tpu.memory_space<vmem>>, %arg8: memref<160x128xi32, #tpu.memory_space<vmem>>, %arg9: memref<6x128x64xf32, #tpu.memory_space<vmem>>, %arg10: memref<10112x64xf32, #tpu.memory_space<vmem_shared>>, %arg11: memref<6x!tpu.dma_semaphore, #tpu.memory_space<semaphore_mem>>, %arg12: memref<6x!tpu.dma_semaphore, #tpu.memory_space<semaphore_mem>>) attributes {dimension_semantics = [#tpu.dimension_semantics<core_parallel>, #tpu.dimension_semantics<subcore_parallel>], iteration_bounds = array<i64: 2, 16>, scalar_prefetch = 0 : i64, scratch_operands = 6 : i64, tpu.core_type = #tpu.core_type<sc_vector_subcore>, window_params = [{transform_indices = #map}, {transform_indices = #map}, {transform_indices = #map}, {transform_indices = #map}, {transform_indices = #map1}]} {
    %mul3A = arith.constant 632 : i32
    %mul3A_0 = arith.muli %arg1, %mul3A : i32
    %dma_start3A = arith.constant 0 : i32
    %dma_start3A_1 = tpu.memref_slice %arg11[%dma_start3A] : memref<6x!tpu.dma_semaphore, #tpu.memory_space<semaphore_mem>> -> memref<1x!tpu.dma_semaphore, #tpu.memory_space<semaphore_mem>>
    %dma_start3A_2 = tpu.memref_squeeze %dma_start3A_1 : memref<1x!tpu.dma_semaphore, #tpu.memory_space<semaphore_mem>> -> memref<!tpu.dma_semaphore, #tpu.memory_space<semaphore_mem>>
    %dma_start3A_3 = arith.constant 0 : i32
    %dma_start3A_4 = tpu.memref_slice %arg10[%mul3A_0, %dma_start3A_3] : memref<10112x64xf32, #tpu.memory_space<vmem_shared>> -> memref<632x64xf32, #tpu.memory_space<vmem_shared>>
    tpu.enqueue_dma source(%arg5 : memref<632x64xf32, #tpu.memory_space<hbm>>) target(%dma_start3A_4 : memref<632x64xf32, #tpu.memory_space<vmem_shared>>) target_semaphore(%dma_start3A_2 : memref<!tpu.dma_semaphore, #tpu.memory_space<semaphore_mem>>)
    %mul3A_5 = arith.constant 160 : i32
    %mul3A_6 = arith.muli %arg1, %mul3A_5 : i32
    "tpu.region"() ({
      %run_scoped3A = tpu.sem_alloc : memref<!tpu.dma_semaphore, #tpu.memory_space<semaphore_mem>>
      %dma_start3A_39 = arith.constant 0 : i32
      %dma_start3A_40 = tpu.memref_slice %arg3[%mul3A_6, %dma_start3A_39] : memref<2560x128xi32, #tpu.memory_space<hbm>> -> memref<160x128xi32, #tpu.memory_space<hbm>>
      %dma_start3A_41 = arith.constant 0 : i32
      %dma_start3A_42 = tpu.memref_slice %arg3[%mul3A_6, %dma_start3A_41] : memref<2560x128xi32, #tpu.memory_space<hbm>> -> memref<160x128xi32, #tpu.memory_space<hbm>>
      tpu.enqueue_dma source(%dma_start3A_42 : memref<160x128xi32, #tpu.memory_space<hbm>>) target(%arg7 : memref<160x128xi32, #tpu.memory_space<vmem>>) target_semaphore(%run_scoped3A : memref<!tpu.dma_semaphore, #tpu.memory_space<semaphore_mem>>)
      %dma_wait3A_43 = arith.constant 0 : i32
      %dma_wait3A_44 = tpu.memref_slice %arg3[%mul3A_6, %dma_wait3A_43] : memref<2560x128xi32, #tpu.memory_space<hbm>> -> memref<160x128xi32, #tpu.memory_space<hbm>>
      %dma_wait3A_45 = arith.constant 0 : i32
      %dma_wait3A_46 = tpu.memref_slice %arg3[%mul3A_6, %dma_wait3A_45] : memref<2560x128xi32, #tpu.memory_space<hbm>> -> memref<160x128xi32, #tpu.memory_space<hbm>>
      tpu.wait_dma2 semaphore(%run_scoped3A : memref<!tpu.dma_semaphore, #tpu.memory_space<semaphore_mem>>) src(%dma_wait3A_46 : memref<160x128xi32, #tpu.memory_space<hbm>>) dst(%arg7 : memref<160x128xi32, #tpu.memory_space<vmem>>)
      tpu.yield
    }) : () -> ()
    %mul3A_7 = arith.constant 160 : i32
    %mul3A_8 = arith.muli %arg1, %mul3A_7 : i32
    "tpu.region"() ({
      %run_scoped3A = tpu.sem_alloc : memref<!tpu.dma_semaphore, #tpu.memory_space<semaphore_mem>>
      %dma_start3A_39 = arith.constant 0 : i32
      %dma_start3A_40 = tpu.memref_slice %arg4[%mul3A_8, %dma_start3A_39] : memref<2560x128xi32, #tpu.memory_space<hbm>> -> memref<160x128xi32, #tpu.memory_space<hbm>>
      %dma_start3A_41 = arith.constant 0 : i32
      %dma_start3A_42 = tpu.memref_slice %arg4[%mul3A_8, %dma_start3A_41] : memref<2560x128xi32, #tpu.memory_space<hbm>> -> memref<160x128xi32, #tpu.memory_space<hbm>>
      tpu.enqueue_dma source(%dma_start3A_42 : memref<160x128xi32, #tpu.memory_space<hbm>>) target(%arg8 : memref<160x128xi32, #tpu.memory_space<vmem>>) target_semaphore(%run_scoped3A : memref<!tpu.dma_semaphore, #tpu.memory_space<semaphore_mem>>)
      %dma_wait3A_43 = arith.constant 0 : i32
      %dma_wait3A_44 = tpu.memref_slice %arg4[%mul3A_8, %dma_wait3A_43] : memref<2560x128xi32, #tpu.memory_space<hbm>> -> memref<160x128xi32, #tpu.memory_space<hbm>>
      %dma_wait3A_45 = arith.constant 0 : i32
      %dma_wait3A_46 = tpu.memref_slice %arg4[%mul3A_8, %dma_wait3A_45] : memref<2560x128xi32, #tpu.memory_space<hbm>> -> memref<160x128xi32, #tpu.memory_space<hbm>>
      tpu.wait_dma2 semaphore(%run_scoped3A : memref<!tpu.dma_semaphore, #tpu.memory_space<semaphore_mem>>) src(%dma_wait3A_46 : memref<160x128xi32, #tpu.memory_space<hbm>>) dst(%arg8 : memref<160x128xi32, #tpu.memory_space<vmem>>)
      tpu.yield
    }) : () -> ()
    %eq3A = arith.constant 1 : i32
    %eq3A_9 = arith.cmpi eq, %arg0, %eq3A : i32
    %convert_element_type3A = arith.extui %eq3A_9 : i1 to i32
    %cond3A = arith.constant 0 : i32
    %cond3A_10 = arith.cmpi ne, %convert_element_type3A, %cond3A : i32
    scf.if %cond3A_10 {
      %scan3A_39 = arith.constant 0 : i32
      %scan3A_40 = arith.constant 160 : i32
      %scan3A_41 = arith.addi %scan3A_39, %scan3A_40 : i32
      %scan3A_42 = arith.constant 1 : i32
      scf.for %scan3A_44 = %scan3A_39 to %scan3A_41 step %scan3A_42  : i32 {
        %mul3A_45 = arith.constant 1 : i32
        %mul3A_46 = arith.muli %scan3A_44, %mul3A_45 : i32
        %add3A_47 = arith.constant 0 : i32
        %add3A_48 = arith.addi %add3A_47, %mul3A_46 : i32
        %scan3A_49 = arith.constant 0 : i32
        %scan3A_50 = arith.constant 8 : i32
        %scan3A_51 = arith.addi %scan3A_49, %scan3A_50 : i32
        %scan3A_52 = arith.constant 1 : i32
        scf.for %scan3A_54 = %scan3A_49 to %scan3A_51 step %scan3A_52  : i32 {
          %mul3A_55 = arith.constant 16 : i32
          %mul3A_56 = arith.muli %scan3A_54, %mul3A_55 : i32
          %add3A_57 = arith.constant 0 : i32
          %add3A_58 = arith.addi %add3A_57, %mul3A_56 : i32
          %get3A = arith.index_cast %add3A_48 : i32 to index
          %get3A_59 = arith.index_cast %add3A_58 : i32 to index
          %get3A_60 = tpu.vector_load %arg7[%get3A, %get3A_59] {strides = array<i32>} : memref<160x128xi32, #tpu.memory_space<vmem>>, vector<1x16xi32>,
          %get3A_61 = vector.shape_cast %get3A_60 : vector<1x16xi32> to vector<16xi32>
          %add3A_62 = arith.constant 1 : i32
          %add3A_63 = vector.broadcast %add3A_62 : i32 to vector<16xi32>
          %add3A_64 = arith.addi %get3A_61, %add3A_63 : vector<16xi32>
          %swap3A = arith.index_cast %add3A_48 : i32 to index
          %swap3A_65 = arith.index_cast %add3A_58 : i32 to index
          %swap3A_66 = tpu.vector_load %arg7[%swap3A, %swap3A_65] {strides = array<i32>} : memref<160x128xi32, #tpu.memory_space<vmem>>, vector<1x16xi32>,
          %swap3A_67 = vector.shape_cast %swap3A_66 : vector<1x16xi32> to vector<16xi32>
          %swap3A_68 = vector.shape_cast %add3A_64 : vector<16xi32> to vector<1x16xi32>
          tpu.vector_store %arg7[%swap3A, %swap3A_65], %swap3A_68 {strides = array<i32>} : memref<160x128xi32, #tpu.memory_space<vmem>>, vector<1x16xi32>,
        }
        %scan3A_53 = arith.constant 8 : i32
      }
      %scan3A_43 = arith.constant 160 : i32
    } else {
    }
    %dma_wait3A = arith.constant 0 : i32
    %dma_wait3A_11 = tpu.memref_slice %arg11[%dma_wait3A] : memref<6x!tpu.dma_semaphore, #tpu.memory_space<semaphore_mem>> -> memref<1x!tpu.dma_semaphore, #tpu.memory_space<semaphore_mem>>
    %dma_wait3A_12 = tpu.memref_squeeze %dma_wait3A_11 : memref<1x!tpu.dma_semaphore, #tpu.memory_space<semaphore_mem>> -> memref<!tpu.dma_semaphore, #tpu.memory_space<semaphore_mem>>
    %dma_wait3A_13 = arith.constant 0 : i32
    %dma_wait3A_14 = tpu.memref_slice %arg10[%mul3A_0, %dma_wait3A_13] : memref<10112x64xf32, #tpu.memory_space<vmem_shared>> -> memref<632x64xf32, #tpu.memory_space<vmem_shared>>
    tpu.wait_dma2 semaphore(%dma_wait3A_12 : memref<!tpu.dma_semaphore, #tpu.memory_space<semaphore_mem>>) src(%arg5 : memref<632x64xf32, #tpu.memory_space<hbm>>) dst(%dma_wait3A_14 : memref<632x64xf32, #tpu.memory_space<vmem_shared>>)
    %barrier3A = arith.constant 0 : index
    tpu.barrier barrier_id(%barrier3A)
    %scan3A = arith.constant 0 : i32
    %scan3A_15 = arith.constant 165 : i32
    %scan3A_16 = arith.addi %scan3A, %scan3A_15 : i32
    %scan3A_17 = arith.constant 1 : i32
    scf.for %scan3A_39 = %scan3A to %scan3A_16 step %scan3A_17  : i32 {
      %mul3A_40 = arith.constant 1 : i32
      %mul3A_41 = arith.muli %scan3A_39, %mul3A_40 : i32
      %add3A_42 = arith.constant 0 : i32
      %add3A_43 = arith.addi %add3A_42, %mul3A_41 : i32
      %rem3A_44 = arith.constant 6 : i32
      %rem3A_45 = arith.remsi %add3A_43, %rem3A_44 : i32
      %ge3A = arith.constant 6 : i32
      %ge3A_46 = arith.cmpi sge, %add3A_43, %ge3A : i32
      %convert_element_type3A_47 = arith.extui %ge3A_46 : i1 to i32
      %cond3A_48 = arith.constant 0 : i32
      %cond3A_49 = arith.cmpi ne, %convert_element_type3A_47, %cond3A_48 : i32
      scf.if %cond3A_49 {
        %sub3A_61 = arith.constant 6 : i32
        %sub3A_62 = arith.subi %add3A_43, %sub3A_61 : i32
        %dma_wait3A_63 = arith.constant 0 : i32
        %dma_wait3A_64 = arith.constant 0 : i32
        %dma_wait3A_65 = tpu.memref_slice %arg9[%rem3A_45, %dma_wait3A_63, %dma_wait3A_64] : memref<6x128x64xf32, #tpu.memory_space<vmem>> -> memref<1x128x64xf32, #tpu.memory_space<vmem>>
        %dma_wait3A_66 = tpu.memref_squeeze %dma_wait3A_65 : memref<1x128x64xf32, #tpu.memory_space<vmem>> -> memref<128x64xf32, #tpu.memory_space<vmem>>
        %dma_wait3A_67 = arith.constant 0 : i32
        %dma_wait3A_68 = tpu.memref_slice %arg8[%sub3A_62, %dma_wait3A_67] : memref<160x128xi32, #tpu.memory_space<vmem>> -> memref<1x128xi32, #tpu.memory_space<vmem>>
        %dma_wait3A_69 = tpu.memref_squeeze %dma_wait3A_68 : memref<1x128xi32, #tpu.memory_space<vmem>> -> memref<128xi32, #tpu.memory_space<vmem>>
        %dma_wait3A_70 = arith.constant 0 : i32
        %dma_wait3A_71 = arith.constant 0 : i32
        %dma_wait3A_72 = tpu.memref_slice %arg10[%dma_wait3A_70, %dma_wait3A_71] : memref<10112x64xf32, #tpu.memory_space<vmem_shared>> -> memref<10112x64xf32, #tpu.memory_space<vmem_shared>>
        %dma_wait3A_73 = tpu.memref_slice %arg12[%rem3A_45] : memref<6x!tpu.dma_semaphore, #tpu.memory_space<semaphore_mem>> -> memref<1x!tpu.dma_semaphore, #tpu.memory_space<semaphore_mem>>
        %dma_wait3A_74 = tpu.memref_squeeze %dma_wait3A_73 : memref<1x!tpu.dma_semaphore, #tpu.memory_space<semaphore_mem>> -> memref<!tpu.dma_semaphore, #tpu.memory_space<semaphore_mem>>
        tpu.wait_indirect_dma semaphore(%dma_wait3A_74 : memref<!tpu.dma_semaphore, #tpu.memory_space<semaphore_mem>>) src(%dma_wait3A_66 : memref<128x64xf32, #tpu.memory_space<vmem>>) dst(%dma_wait3A_72 : memref<10112x64xf32, #tpu.memory_space<vmem_shared>>)
      } else {
      }
      %lt3A = arith.constant 160 : i32
      %lt3A_50 = arith.cmpi slt, %add3A_43, %lt3A : i32
      %convert_element_type3A_51 = arith.extui %lt3A_50 : i1 to i32
      %cond3A_52 = arith.constant 0 : i32
      %cond3A_53 = arith.cmpi ne, %convert_element_type3A_51, %cond3A_52 : i32
      scf.if %cond3A_53 {
        %dma_start3A_61 = arith.constant 0 : i32
        %dma_start3A_62 = arith.constant 0 : i32
        %dma_start3A_63 = tpu.memref_slice %arg9[%rem3A_45, %dma_start3A_61, %dma_start3A_62] : memref<6x128x64xf32, #tpu.memory_space<vmem>> -> memref<1x128x64xf32, #tpu.memory_space<vmem>>
        %dma_start3A_64 = tpu.memref_squeeze %dma_start3A_63 : memref<1x128x64xf32, #tpu.memory_space<vmem>> -> memref<128x64xf32, #tpu.memory_space<vmem>>
        %dma_start3A_65 = arith.constant 0 : i32
        %dma_start3A_66 = tpu.memref_slice %arg7[%add3A_43, %dma_start3A_65] : memref<160x128xi32, #tpu.memory_space<vmem>> -> memref<1x128xi32, #tpu.memory_space<vmem>>
        %dma_start3A_67 = tpu.memref_squeeze %dma_start3A_66 : memref<1x128xi32, #tpu.memory_space<vmem>> -> memref<128xi32, #tpu.memory_space<vmem>>
        %dma_start3A_68 = arith.constant 0 : i32
        %dma_start3A_69 = arith.constant 0 : i32
        %dma_start3A_70 = tpu.memref_slice %arg2[%dma_start3A_68, %dma_start3A_69] : memref<20000x64xf32, #tpu.memory_space<hbm>> -> memref<20000x64xf32, #tpu.memory_space<hbm>>
        %dma_start3A_71 = tpu.memref_slice %arg11[%rem3A_45] : memref<6x!tpu.dma_semaphore, #tpu.memory_space<semaphore_mem>> -> memref<1x!tpu.dma_semaphore, #tpu.memory_space<semaphore_mem>>
        %dma_start3A_72 = tpu.memref_squeeze %dma_start3A_71 : memref<1x!tpu.dma_semaphore, #tpu.memory_space<semaphore_mem>> -> memref<!tpu.dma_semaphore, #tpu.memory_space<semaphore_mem>>
        tpu.enqueue_indirect_dma source(%dma_start3A_70 : memref<20000x64xf32, #tpu.memory_space<hbm>>) target(%dma_start3A_64 : memref<128x64xf32, #tpu.memory_space<vmem>>) offsets(%dma_start3A_67 : memref<128xi32, #tpu.memory_space<vmem>>) semaphore(%dma_start3A_72 : memref<!tpu.dma_semaphore, #tpu.memory_space<semaphore_mem>>)
      } else {
      }
      %sub3A_54 = arith.constant 5 : i32
      %sub3A_55 = arith.subi %add3A_43, %sub3A_54 : i32
      %ge3A_56 = arith.constant 0 : i32
      %ge3A_57 = arith.cmpi sge, %sub3A_55, %ge3A_56 : i32
      %convert_element_type3A_58 = arith.extui %ge3A_57 : i1 to i32
      %cond3A_59 = arith.constant 0 : i32
      %cond3A_60 = arith.cmpi ne, %convert_element_type3A_58, %cond3A_59 : i32
      scf.if %cond3A_60 {
        %rem3A_61 = arith.constant 6 : i32
        %rem3A_62 = arith.remsi %sub3A_55, %rem3A_61 : i32
        %dma_wait3A_63 = arith.constant 0 : i32
        %dma_wait3A_64 = arith.constant 0 : i32
        %dma_wait3A_65 = tpu.memref_slice %arg9[%rem3A_62, %dma_wait3A_63, %dma_wait3A_64] : memref<6x128x64xf32, #tpu.memory_space<vmem>> -> memref<1x128x64xf32, #tpu.memory_space<vmem>>
        %dma_wait3A_66 = tpu.memref_squeeze %dma_wait3A_65 : memref<1x128x64xf32, #tpu.memory_space<vmem>> -> memref<128x64xf32, #tpu.memory_space<vmem>>
        %dma_wait3A_67 = arith.constant 0 : i32
        %dma_wait3A_68 = tpu.memref_slice %arg7[%sub3A_55, %dma_wait3A_67] : memref<160x128xi32, #tpu.memory_space<vmem>> -> memref<1x128xi32, #tpu.memory_space<vmem>>
        %dma_wait3A_69 = tpu.memref_squeeze %dma_wait3A_68 : memref<1x128xi32, #tpu.memory_space<vmem>> -> memref<128xi32, #tpu.memory_space<vmem>>
        %dma_wait3A_70 = arith.constant 0 : i32
        %dma_wait3A_71 = arith.constant 0 : i32
        %dma_wait3A_72 = tpu.memref_slice %arg2[%dma_wait3A_70, %dma_wait3A_71] : memref<20000x64xf32, #tpu.memory_space<hbm>> -> memref<20000x64xf32, #tpu.memory_space<hbm>>
        %dma_wait3A_73 = tpu.memref_slice %arg11[%rem3A_62] : memref<6x!tpu.dma_semaphore, #tpu.memory_space<semaphore_mem>> -> memref<1x!tpu.dma_semaphore, #tpu.memory_space<semaphore_mem>>
        %dma_wait3A_74 = tpu.memref_squeeze %dma_wait3A_73 : memref<1x!tpu.dma_semaphore, #tpu.memory_space<semaphore_mem>> -> memref<!tpu.dma_semaphore, #tpu.memory_space<semaphore_mem>>
        tpu.wait_indirect_dma semaphore(%dma_wait3A_74 : memref<!tpu.dma_semaphore, #tpu.memory_space<semaphore_mem>>) src(%dma_wait3A_72 : memref<20000x64xf32, #tpu.memory_space<hbm>>) dst(%dma_wait3A_66 : memref<128x64xf32, #tpu.memory_space<vmem>>)
        %dma_start3A_75 = arith.constant 0 : i32
        %dma_start3A_76 = arith.constant 0 : i32
        %dma_start3A_77 = tpu.memref_slice %arg9[%rem3A_62, %dma_start3A_75, %dma_start3A_76] : memref<6x128x64xf32, #tpu.memory_space<vmem>> -> memref<1x128x64xf32, #tpu.memory_space<vmem>>
        %dma_start3A_78 = tpu.memref_squeeze %dma_start3A_77 : memref<1x128x64xf32, #tpu.memory_space<vmem>> -> memref<128x64xf32, #tpu.memory_space<vmem>>
        %dma_start3A_79 = arith.constant 0 : i32
        %dma_start3A_80 = tpu.memref_slice %arg8[%sub3A_55, %dma_start3A_79] : memref<160x128xi32, #tpu.memory_space<vmem>> -> memref<1x128xi32, #tpu.memory_space<vmem>>
        %dma_start3A_81 = tpu.memref_squeeze %dma_start3A_80 : memref<1x128xi32, #tpu.memory_space<vmem>> -> memref<128xi32, #tpu.memory_space<vmem>>
        %dma_start3A_82 = arith.constant 0 : i32
        %dma_start3A_83 = arith.constant 0 : i32
        %dma_start3A_84 = tpu.memref_slice %arg10[%dma_start3A_82, %dma_start3A_83] : memref<10112x64xf32, #tpu.memory_space<vmem_shared>> -> memref<10112x64xf32, #tpu.memory_space<vmem_shared>>
        %dma_start3A_85 = tpu.memref_slice %arg12[%rem3A_62] : memref<6x!tpu.dma_semaphore, #tpu.memory_space<semaphore_mem>> -> memref<1x!tpu.dma_semaphore, #tpu.memory_space<semaphore_mem>>
        %dma_start3A_86 = tpu.memref_squeeze %dma_start3A_85 : memref<1x!tpu.dma_semaphore, #tpu.memory_space<semaphore_mem>> -> memref<!tpu.dma_semaphore, #tpu.memory_space<semaphore_mem>>
        tpu.enqueue_indirect_dma source(%dma_start3A_78 : memref<128x64xf32, #tpu.memory_space<vmem>>) target(%dma_start3A_84 : memref<10112x64xf32, #tpu.memory_space<vmem_shared>>) offsets(%dma_start3A_81 : memref<128xi32, #tpu.memory_space<vmem>>) semaphore(%dma_start3A_86 : memref<!tpu.dma_semaphore, #tpu.memory_space<semaphore_mem>>) {add = true}
      } else {
      }
    }
    %scan3A_18 = arith.constant 165 : i32
    %scan3A_19 = arith.constant 0 : i32
    %mul3A_20 = arith.constant 1 : i32
    %mul3A_21 = arith.muli %scan3A_19, %mul3A_20 : i32
    %add3A = arith.constant 165 : i32
    %add3A_22 = arith.addi %add3A, %mul3A_21 : i32
    %rem3A = arith.constant 6 : i32
    %rem3A_23 = arith.remsi %add3A_22, %rem3A : i32
    %sub3A = arith.constant 6 : i32
    %sub3A_24 = arith.subi %add3A_22, %sub3A : i32
    %dma_wait3A_25 = arith.constant 0 : i32
    %dma_wait3A_26 = arith.constant 0 : i32
    %dma_wait3A_27 = tpu.memref_slice %arg9[%rem3A_23, %dma_wait3A_25, %dma_wait3A_26] : memref<6x128x64xf32, #tpu.memory_space<vmem>> -> memref<1x128x64xf32, #tpu.memory_space<vmem>>
    %dma_wait3A_28 = tpu.memref_squeeze %dma_wait3A_27 : memref<1x128x64xf32, #tpu.memory_space<vmem>> -> memref<128x64xf32, #tpu.memory_space<vmem>>
    %dma_wait3A_29 = arith.constant 0 : i32
    %dma_wait3A_30 = tpu.memref_slice %arg8[%sub3A_24, %dma_wait3A_29] : memref<160x128xi32, #tpu.memory_space<vmem>> -> memref<1x128xi32, #tpu.memory_space<vmem>>
    %dma_wait3A_31 = tpu.memref_squeeze %dma_wait3A_30 : memref<1x128xi32, #tpu.memory_space<vmem>> -> memref<128xi32, #tpu.memory_space<vmem>>
    %dma_wait3A_32 = arith.constant 0 : i32
    %dma_wait3A_33 = arith.constant 0 : i32
    %dma_wait3A_34 = tpu.memref_slice %arg10[%dma_wait3A_32, %dma_wait3A_33] : memref<10112x64xf32, #tpu.memory_space<vmem_shared>> -> memref<10112x64xf32, #tpu.memory_space<vmem_shared>>
    %dma_wait3A_35 = tpu.memref_slice %arg12[%rem3A_23] : memref<6x!tpu.dma_semaphore, #tpu.memory_space<semaphore_mem>> -> memref<1x!tpu.dma_semaphore, #tpu.memory_space<semaphore_mem>>
    %dma_wait3A_36 = tpu.memref_squeeze %dma_wait3A_35 : memref<1x!tpu.dma_semaphore, #tpu.memory_space<semaphore_mem>> -> memref<!tpu.dma_semaphore, #tpu.memory_space<semaphore_mem>>
    tpu.wait_indirect_dma semaphore(%dma_wait3A_36 : memref<!tpu.dma_semaphore, #tpu.memory_space<semaphore_mem>>) src(%dma_wait3A_28 : memref<128x64xf32, #tpu.memory_space<vmem>>) dst(%dma_wait3A_34 : memref<10112x64xf32, #tpu.memory_space<vmem_shared>>)
    %scan3A_37 = arith.constant 1 : i32
    %barrier3A_38 = arith.constant 0 : index
    tpu.barrier barrier_id(%barrier3A_38)
    "tpu.region"() ({
      %run_scoped3A = tpu.sem_alloc : memref<!tpu.dma_semaphore, #tpu.memory_space<semaphore_mem>>
      %dma_start3A_39 = arith.constant 0 : i32
      %dma_start3A_40 = arith.constant 0 : i32
      %dma_start3A_41 = tpu.memref_slice %arg6[%arg0, %dma_start3A_39, %dma_start3A_40] : memref<2x10112x64xf32, #tpu.memory_space<hbm>> -> memref<1x10112x64xf32, #tpu.memory_space<hbm>>
      %dma_start3A_42 = tpu.memref_squeeze %dma_start3A_41 : memref<1x10112x64xf32, #tpu.memory_space<hbm>> -> memref<10112x64xf32, #tpu.memory_space<hbm>>
      %dma_start3A_43 = arith.constant 0 : i32
      %dma_start3A_44 = tpu.memref_slice %dma_start3A_42[%mul3A_0, %dma_start3A_43] : memref<10112x64xf32, #tpu.memory_space<hbm>> -> memref<632x64xf32, #tpu.memory_space<hbm>>
      %dma_start3A_45 = arith.constant 0 : i32
      %dma_start3A_46 = tpu.memref_slice %arg10[%mul3A_0, %dma_start3A_45] : memref<10112x64xf32, #tpu.memory_space<vmem_shared>> -> memref<632x64xf32, #tpu.memory_space<vmem_shared>>
      tpu.enqueue_dma source(%dma_start3A_46 : memref<632x64xf32, #tpu.memory_space<vmem_shared>>) target(%dma_start3A_44 : memref<632x64xf32, #tpu.memory_space<hbm>>) target_semaphore(%run_scoped3A : memref<!tpu.dma_semaphore, #tpu.memory_space<semaphore_mem>>)
      %dma_wait3A_47 = arith.constant 0 : i32
      %dma_wait3A_48 = arith.constant 0 : i32
      %dma_wait3A_49 = tpu.memref_slice %arg6[%arg0, %dma_wait3A_47, %dma_wait3A_48] : memref<2x10112x64xf32, #tpu.memory_space<hbm>> -> memref<1x10112x64xf32, #tpu.memory_space<hbm>>
      %dma_wait3A_50 = tpu.memref_squeeze %dma_wait3A_49 : memref<1x10112x64xf32, #tpu.memory_space<hbm>> -> memref<10112x64xf32, #tpu.memory_space<hbm>>
      %dma_wait3A_51 = arith.constant 0 : i32
      %dma_wait3A_52 = tpu.memref_slice %dma_wait3A_50[%mul3A_0, %dma_wait3A_51] : memref<10112x64xf32, #tpu.memory_space<hbm>> -> memref<632x64xf32, #tpu.memory_space<hbm>>
      %dma_wait3A_53 = arith.constant 0 : i32
      %dma_wait3A_54 = tpu.memref_slice %arg10[%mul3A_0, %dma_wait3A_53] : memref<10112x64xf32, #tpu.memory_space<vmem_shared>> -> memref<632x64xf32, #tpu.memory_space<vmem_shared>>
      tpu.wait_dma2 semaphore(%run_scoped3A : memref<!tpu.dma_semaphore, #tpu.memory_space<semaphore_mem>>) src(%dma_wait3A_54 : memref<632x64xf32, #tpu.memory_space<vmem_shared>>) dst(%dma_wait3A_52 : memref<632x64xf32, #tpu.memory_space<hbm>>)
      tpu.yield
    }) : () -> ()
    return
  }
}

#map = affine_map<(d0, d1) -> (0, 0)>
#map1 = affine_map<(d0, d1) -> (0, 0, 0)>
module attributes {stable_mosaic.version = 14 : i64} {
  func.func @k(%arg0: i32, %arg1: i32, %arg2: memref<20000x64xf32, #tpu.memory_space<hbm>>, %arg3: memref<2560x128xi32, #tpu.memory_space<hbm>>, %arg4: memref<2560x128xi32, #tpu.memory_space<hbm>>, %arg5: memref<632x64xf32, #tpu.memory_space<hbm>>, %arg6: memref<2x10112x64xf32, #tpu.memory_space<hbm>>, %arg7: memref<160x128xi32, #tpu.memory_space<vmem>>, %arg8: memref<160x128xi32, #tpu.memory_space<vmem>>, %arg9: memref<6x128x64xf32, #tpu.memory_space<vmem>>, %arg10: memref<10112x64xf32, #tpu.memory_space<vmem_shared>>, %arg11: memref<6x!tpu.dma_semaphore, #tpu.memory_space<semaphore_mem>>, %arg12: memref<6x!tpu.dma_semaphore, #tpu.memory_space<semaphore_mem>>) attributes {dimension_semantics = [#tpu.dimension_semantics<core_parallel>, #tpu.dimension_semantics<subcore_parallel>], iteration_bounds = array<i64: 2, 16>, scalar_prefetch = 0 : i64, scratch_operands = 6 : i64, tpu.core_type = #tpu.core_type<sc_vector_subcore>, window_params = [{transform_indices = #map}, {transform_indices = #map}, {transform_indices = #map}, {transform_indices = #map}, {transform_indices = #map1}]} {
    %mul3A = arith.constant 632 : i32
    %mul3A_0 = arith.muli %arg1, %mul3A : i32
    %dma_start3A = arith.constant 0 : i32
    %dma_start3A_1 = tpu.memref_slice %arg11[%dma_start3A] : memref<6x!tpu.dma_semaphore, #tpu.memory_space<semaphore_mem>> -> memref<1x!tpu.dma_semaphore, #tpu.memory_space<semaphore_mem>>
    %dma_start3A_2 = tpu.memref_squeeze %dma_start3A_1 : memref<1x!tpu.dma_semaphore, #tpu.memory_space<semaphore_mem>> -> memref<!tpu.dma_semaphore, #tpu.memory_space<semaphore_mem>>
    %dma_start3A_3 = arith.constant 0 : i32
    %dma_start3A_4 = tpu.memref_slice %arg10[%mul3A_0, %dma_start3A_3] : memref<10112x64xf32, #tpu.memory_space<vmem_shared>> -> memref<632x64xf32, #tpu.memory_space<vmem_shared>>
    tpu.enqueue_dma source(%arg5 : memref<632x64xf32, #tpu.memory_space<hbm>>) target(%dma_start3A_4 : memref<632x64xf32, #tpu.memory_space<vmem_shared>>) target_semaphore(%dma_start3A_2 : memref<!tpu.dma_semaphore, #tpu.memory_space<semaphore_mem>>)
    %mul3A_5 = arith.constant 160 : i32
    %mul3A_6 = arith.muli %arg1, %mul3A_5 : i32
    "tpu.region"() ({
      %run_scoped3A = tpu.sem_alloc : memref<!tpu.dma_semaphore, #tpu.memory_space<semaphore_mem>>
      %dma_start3A_39 = arith.constant 0 : i32
      %dma_start3A_40 = tpu.memref_slice %arg3[%mul3A_6, %dma_start3A_39] : memref<2560x128xi32, #tpu.memory_space<hbm>> -> memref<160x128xi32, #tpu.memory_space<hbm>>
      %dma_start3A_41 = arith.constant 0 : i32
      %dma_start3A_42 = tpu.memref_slice %arg3[%mul3A_6, %dma_start3A_41] : memref<2560x128xi32, #tpu.memory_space<hbm>> -> memref<160x128xi32, #tpu.memory_space<hbm>>
      tpu.enqueue_dma source(%dma_start3A_42 : memref<160x128xi32, #tpu.memory_space<hbm>>) target(%arg7 : memref<160x128xi32, #tpu.memory_space<vmem>>) target_semaphore(%run_scoped3A : memref<!tpu.dma_semaphore, #tpu.memory_space<semaphore_mem>>)
      %dma_wait3A_43 = arith.constant 0 : i32
      %dma_wait3A_44 = tpu.memref_slice %arg3[%mul3A_6, %dma_wait3A_43] : memref<2560x128xi32, #tpu.memory_space<hbm>> -> memref<160x128xi32, #tpu.memory_space<hbm>>
      %dma_wait3A_45 = arith.constant 0 : i32
      %dma_wait3A_46 = tpu.memref_slice %arg3[%mul3A_6, %dma_wait3A_45] : memref<2560x128xi32, #tpu.memory_space<hbm>> -> memref<160x128xi32, #tpu.memory_space<hbm>>
      tpu.wait_dma2 semaphore(%run_scoped3A : memref<!tpu.dma_semaphore, #tpu.memory_space<semaphore_mem>>) src(%dma_wait3A_46 : memref<160x128xi32, #tpu.memory_space<hbm>>) dst(%arg7 : memref<160x128xi32, #tpu.memory_space<vmem>>)
      tpu.yield
    }) : () -> ()
    %mul3A_7 = arith.constant 160 : i32
    %mul3A_8 = arith.muli %arg1, %mul3A_7 : i32
    "tpu.region"() ({
      %run_scoped3A = tpu.sem_alloc : memref<!tpu.dma_semaphore, #tpu.memory_space<semaphore_mem>>
      %dma_start3A_39 = arith.constant 0 : i32
      %dma_start3A_40 = tpu.memref_slice %arg4[%mul3A_8, %dma_start3A_39] : memref<2560x128xi32, #tpu.memory_space<hbm>> -> memref<160x128xi32, #tpu.memory_space<hbm>>
      %dma_start3A_41 = arith.constant 0 : i32
      %dma_start3A_42 = tpu.memref_slice %arg4[%mul3A_8, %dma_start3A_41] : memref<2560x128xi32, #tpu.memory_space<hbm>> -> memref<160x128xi32, #tpu.memory_space<hbm>>
      tpu.enqueue_dma source(%dma_start3A_42 : memref<160x128xi32, #tpu.memory_space<hbm>>) target(%arg8 : memref<160x128xi32, #tpu.memory_space<vmem>>) target_semaphore(%run_scoped3A : memref<!tpu.dma_semaphore, #tpu.memory_space<semaphore_mem>>)
      %dma_wait3A_43 = arith.constant 0 : i32
      %dma_wait3A_44 = tpu.memref_slice %arg4[%mul3A_8, %dma_wait3A_43] : memref<2560x128xi32, #tpu.memory_space<hbm>> -> memref<160x128xi32, #tpu.memory_space<hbm>>
      %dma_wait3A_45 = arith.constant 0 : i32
      %dma_wait3A_46 = tpu.memref_slice %arg4[%mul3A_8, %dma_wait3A_45] : memref<2560x128xi32, #tpu.memory_space<hbm>> -> memref<160x128xi32, #tpu.memory_space<hbm>>
      tpu.wait_dma2 semaphore(%run_scoped3A : memref<!tpu.dma_semaphore, #tpu.memory_space<semaphore_mem>>) src(%dma_wait3A_46 : memref<160x128xi32, #tpu.memory_space<hbm>>) dst(%arg8 : memref<160x128xi32, #tpu.memory_space<vmem>>)
      tpu.yield
    }) : () -> ()
    %eq3A = arith.constant 1 : i32
    %eq3A_9 = arith.cmpi eq, %arg0, %eq3A : i32
    %convert_element_type3A = arith.extui %eq3A_9 : i1 to i32
    %cond3A = arith.constant 0 : i32
    %cond3A_10 = arith.cmpi ne, %convert_element_type3A, %cond3A : i32
    scf.if %cond3A_10 {
      %scan3A_39 = arith.constant 0 : i32
      %scan3A_40 = arith.constant 160 : i32
      %scan3A_41 = arith.addi %scan3A_39, %scan3A_40 : i32
      %scan3A_42 = arith.constant 1 : i32
      scf.for %scan3A_44 = %scan3A_39 to %scan3A_41 step %scan3A_42  : i32 {
        %mul3A_45 = arith.constant 1 : i32
        %mul3A_46 = arith.muli %scan3A_44, %mul3A_45 : i32
        %add3A_47 = arith.constant 0 : i32
        %add3A_48 = arith.addi %add3A_47, %mul3A_46 : i32
        %scan3A_49 = arith.constant 0 : i32
        %scan3A_50 = arith.constant 8 : i32
        %scan3A_51 = arith.addi %scan3A_49, %scan3A_50 : i32
        %scan3A_52 = arith.constant 1 : i32
        scf.for %scan3A_54 = %scan3A_49 to %scan3A_51 step %scan3A_52  : i32 {
          %mul3A_55 = arith.constant 16 : i32
          %mul3A_56 = arith.muli %scan3A_54, %mul3A_55 : i32
          %add3A_57 = arith.constant 0 : i32
          %add3A_58 = arith.addi %add3A_57, %mul3A_56 : i32
          %get3A = arith.index_cast %add3A_48 : i32 to index
          %get3A_59 = arith.index_cast %add3A_58 : i32 to index
          %get3A_60 = tpu.vector_load %arg7[%get3A, %get3A_59] {strides = array<i32>} : memref<160x128xi32, #tpu.memory_space<vmem>>, vector<1x16xi32>,
          %get3A_61 = vector.shape_cast %get3A_60 : vector<1x16xi32> to vector<16xi32>
          %add3A_62 = arith.constant 1 : i32
          %add3A_63 = vector.broadcast %add3A_62 : i32 to vector<16xi32>
          %add3A_64 = arith.addi %get3A_61, %add3A_63 : vector<16xi32>
          %swap3A = arith.index_cast %add3A_48 : i32 to index
          %swap3A_65 = arith.index_cast %add3A_58 : i32 to index
          %swap3A_66 = tpu.vector_load %arg7[%swap3A, %swap3A_65] {strides = array<i32>} : memref<160x128xi32, #tpu.memory_space<vmem>>, vector<1x16xi32>,
          %swap3A_67 = vector.shape_cast %swap3A_66 : vector<1x16xi32> to vector<16xi32>
          %swap3A_68 = vector.shape_cast %add3A_64 : vector<16xi32> to vector<1x16xi32>
          tpu.vector_store %arg7[%swap3A, %swap3A_65], %swap3A_68 {strides = array<i32>} : memref<160x128xi32, #tpu.memory_space<vmem>>, vector<1x16xi32>,
        }
        %scan3A_53 = arith.constant 8 : i32
      }
      %scan3A_43 = arith.constant 160 : i32
    } else {
    }
    %dma_wait3A = arith.constant 0 : i32
    %dma_wait3A_11 = tpu.memref_slice %arg11[%dma_wait3A] : memref<6x!tpu.dma_semaphore, #tpu.memory_space<semaphore_mem>> -> memref<1x!tpu.dma_semaphore, #tpu.memory_space<semaphore_mem>>
    %dma_wait3A_12 = tpu.memref_squeeze %dma_wait3A_11 : memref<1x!tpu.dma_semaphore, #tpu.memory_space<semaphore_mem>> -> memref<!tpu.dma_semaphore, #tpu.memory_space<semaphore_mem>>
    %dma_wait3A_13 = arith.constant 0 : i32
    %dma_wait3A_14 = tpu.memref_slice %arg10[%mul3A_0, %dma_wait3A_13] : memref<10112x64xf32, #tpu.memory_space<vmem_shared>> -> memref<632x64xf32, #tpu.memory_space<vmem_shared>>
    tpu.wait_dma2 semaphore(%dma_wait3A_12 : memref<!tpu.dma_semaphore, #tpu.memory_space<semaphore_mem>>) src(%arg5 : memref<632x64xf32, #tpu.memory_space<hbm>>) dst(%dma_wait3A_14 : memref<632x64xf32, #tpu.memory_space<vmem_shared>>)
    %barrier3A = arith.constant 0 : index
    tpu.barrier barrier_id(%barrier3A)
    %scan3A = arith.constant 0 : i32
    %scan3A_15 = arith.constant 165 : i32
    %scan3A_16 = arith.addi %scan3A, %scan3A_15 : i32
    %scan3A_17 = arith.constant 1 : i32
    scf.for %scan3A_39 = %scan3A to %scan3A_16 step %scan3A_17  : i32 {
      %mul3A_40 = arith.constant 1 : i32
      %mul3A_41 = arith.muli %scan3A_39, %mul3A_40 : i32
      %add3A_42 = arith.constant 0 : i32
      %add3A_43 = arith.addi %add3A_42, %mul3A_41 : i32
      %rem3A_44 = arith.constant 6 : i32
      %rem3A_45 = arith.remsi %add3A_43, %rem3A_44 : i32
      %ge3A = arith.constant 6 : i32
      %ge3A_46 = arith.cmpi sge, %add3A_43, %ge3A : i32
      %convert_element_type3A_47 = arith.extui %ge3A_46 : i1 to i32
      %cond3A_48 = arith.constant 0 : i32
      %cond3A_49 = arith.cmpi ne, %convert_element_type3A_47, %cond3A_48 : i32
      scf.if %cond3A_49 {
        %sub3A_61 = arith.constant 6 : i32
        %sub3A_62 = arith.subi %add3A_43, %sub3A_61 : i32
        %dma_wait3A_63 = arith.constant 0 : i32
        %dma_wait3A_64 = arith.constant 0 : i32
        %dma_wait3A_65 = tpu.memref_slice %arg9[%rem3A_45, %dma_wait3A_63, %dma_wait3A_64] : memref<6x128x64xf32, #tpu.memory_space<vmem>> -> memref<1x128x64xf32, #tpu.memory_space<vmem>>
        %dma_wait3A_66 = tpu.memref_squeeze %dma_wait3A_65 : memref<1x128x64xf32, #tpu.memory_space<vmem>> -> memref<128x64xf32, #tpu.memory_space<vmem>>
        %dma_wait3A_67 = arith.constant 0 : i32
        %dma_wait3A_68 = tpu.memref_slice %arg8[%sub3A_62, %dma_wait3A_67] : memref<160x128xi32, #tpu.memory_space<vmem>> -> memref<1x128xi32, #tpu.memory_space<vmem>>
        %dma_wait3A_69 = tpu.memref_squeeze %dma_wait3A_68 : memref<1x128xi32, #tpu.memory_space<vmem>> -> memref<128xi32, #tpu.memory_space<vmem>>
        %dma_wait3A_70 = arith.constant 0 : i32
        %dma_wait3A_71 = arith.constant 0 : i32
        %dma_wait3A_72 = tpu.memref_slice %arg10[%dma_wait3A_70, %dma_wait3A_71] : memref<10112x64xf32, #tpu.memory_space<vmem_shared>> -> memref<10112x64xf32, #tpu.memory_space<vmem_shared>>
        %dma_wait3A_73 = tpu.memref_slice %arg12[%rem3A_45] : memref<6x!tpu.dma_semaphore, #tpu.memory_space<semaphore_mem>> -> memref<1x!tpu.dma_semaphore, #tpu.memory_space<semaphore_mem>>
        %dma_wait3A_74 = tpu.memref_squeeze %dma_wait3A_73 : memref<1x!tpu.dma_semaphore, #tpu.memory_space<semaphore_mem>> -> memref<!tpu.dma_semaphore, #tpu.memory_space<semaphore_mem>>
        tpu.wait_indirect_dma semaphore(%dma_wait3A_74 : memref<!tpu.dma_semaphore, #tpu.memory_space<semaphore_mem>>) src(%dma_wait3A_66 : memref<128x64xf32, #tpu.memory_space<vmem>>) dst(%dma_wait3A_72 : memref<10112x64xf32, #tpu.memory_space<vmem_shared>>)
      } else {
      }
      %lt3A = arith.constant 160 : i32
      %lt3A_50 = arith.cmpi slt, %add3A_43, %lt3A : i32
      %convert_element_type3A_51 = arith.extui %lt3A_50 : i1 to i32
      %cond3A_52 = arith.constant 0 : i32
      %cond3A_53 = arith.cmpi ne, %convert_element_type3A_51, %cond3A_52 : i32
      scf.if %cond3A_53 {
        %dma_start3A_61 = arith.constant 0 : i32
        %dma_start3A_62 = arith.constant 0 : i32
        %dma_start3A_63 = tpu.memref_slice %arg9[%rem3A_45, %dma_start3A_61, %dma_start3A_62] : memref<6x128x64xf32, #tpu.memory_space<vmem>> -> memref<1x128x64xf32, #tpu.memory_space<vmem>>
        %dma_start3A_64 = tpu.memref_squeeze %dma_start3A_63 : memref<1x128x64xf32, #tpu.memory_space<vmem>> -> memref<128x64xf32, #tpu.memory_space<vmem>>
        %dma_start3A_65 = arith.constant 0 : i32
        %dma_start3A_66 = tpu.memref_slice %arg7[%add3A_43, %dma_start3A_65] : memref<160x128xi32, #tpu.memory_space<vmem>> -> memref<1x128xi32, #tpu.memory_space<vmem>>
        %dma_start3A_67 = tpu.memref_squeeze %dma_start3A_66 : memref<1x128xi32, #tpu.memory_space<vmem>> -> memref<128xi32, #tpu.memory_space<vmem>>
        %dma_start3A_68 = arith.constant 0 : i32
        %dma_start3A_69 = arith.constant 0 : i32
        %dma_start3A_70 = tpu.memref_slice %arg2[%dma_start3A_68, %dma_start3A_69] : memref<20000x64xf32, #tpu.memory_space<hbm>> -> memref<20000x64xf32, #tpu.memory_space<hbm>>
        %dma_start3A_71 = tpu.memref_slice %arg11[%rem3A_45] : memref<6x!tpu.dma_semaphore, #tpu.memory_space<semaphore_mem>> -> memref<1x!tpu.dma_semaphore, #tpu.memory_space<semaphore_mem>>
        %dma_start3A_72 = tpu.memref_squeeze %dma_start3A_71 : memref<1x!tpu.dma_semaphore, #tpu.memory_space<semaphore_mem>> -> memref<!tpu.dma_semaphore, #tpu.memory_space<semaphore_mem>>
        tpu.enqueue_indirect_dma source(%dma_start3A_70 : memref<20000x64xf32, #tpu.memory_space<hbm>>) target(%dma_start3A_64 : memref<128x64xf32, #tpu.memory_space<vmem>>) offsets(%dma_start3A_67 : memref<128xi32, #tpu.memory_space<vmem>>) semaphore(%dma_start3A_72 : memref<!tpu.dma_semaphore, #tpu.memory_space<semaphore_mem>>)
      } else {
      }
      %sub3A_54 = arith.constant 5 : i32
      %sub3A_55 = arith.subi %add3A_43, %sub3A_54 : i32
      %ge3A_56 = arith.constant 0 : i32
      %ge3A_57 = arith.cmpi sge, %sub3A_55, %ge3A_56 : i32
      %convert_element_type3A_58 = arith.extui %ge3A_57 : i1 to i32
      %cond3A_59 = arith.constant 0 : i32
      %cond3A_60 = arith.cmpi ne, %convert_element_type3A_58, %cond3A_59 : i32
      scf.if %cond3A_60 {
        %rem3A_61 = arith.constant 6 : i32
        %rem3A_62 = arith.remsi %sub3A_55, %rem3A_61 : i32
        %dma_wait3A_63 = arith.constant 0 : i32
        %dma_wait3A_64 = arith.constant 0 : i32
        %dma_wait3A_65 = tpu.memref_slice %arg9[%rem3A_62, %dma_wait3A_63, %dma_wait3A_64] : memref<6x128x64xf32, #tpu.memory_space<vmem>> -> memref<1x128x64xf32, #tpu.memory_space<vmem>>
        %dma_wait3A_66 = tpu.memref_squeeze %dma_wait3A_65 : memref<1x128x64xf32, #tpu.memory_space<vmem>> -> memref<128x64xf32, #tpu.memory_space<vmem>>
        %dma_wait3A_67 = arith.constant 0 : i32
        %dma_wait3A_68 = tpu.memref_slice %arg7[%sub3A_55, %dma_wait3A_67] : memref<160x128xi32, #tpu.memory_space<vmem>> -> memref<1x128xi32, #tpu.memory_space<vmem>>
        %dma_wait3A_69 = tpu.memref_squeeze %dma_wait3A_68 : memref<1x128xi32, #tpu.memory_space<vmem>> -> memref<128xi32, #tpu.memory_space<vmem>>
        %dma_wait3A_70 = arith.constant 0 : i32
        %dma_wait3A_71 = arith.constant 0 : i32
        %dma_wait3A_72 = tpu.memref_slice %arg2[%dma_wait3A_70, %dma_wait3A_71] : memref<20000x64xf32, #tpu.memory_space<hbm>> -> memref<20000x64xf32, #tpu.memory_space<hbm>>
        %dma_wait3A_73 = tpu.memref_slice %arg11[%rem3A_62] : memref<6x!tpu.dma_semaphore, #tpu.memory_space<semaphore_mem>> -> memref<1x!tpu.dma_semaphore, #tpu.memory_space<semaphore_mem>>
        %dma_wait3A_74 = tpu.memref_squeeze %dma_wait3A_73 : memref<1x!tpu.dma_semaphore, #tpu.memory_space<semaphore_mem>> -> memref<!tpu.dma_semaphore, #tpu.memory_space<semaphore_mem>>
        tpu.wait_indirect_dma semaphore(%dma_wait3A_74 : memref<!tpu.dma_semaphore, #tpu.memory_space<semaphore_mem>>) src(%dma_wait3A_72 : memref<20000x64xf32, #tpu.memory_space<hbm>>) dst(%dma_wait3A_66 : memref<128x64xf32, #tpu.memory_space<vmem>>)
        %dma_start3A_75 = arith.constant 0 : i32
        %dma_start3A_76 = arith.constant 0 : i32
        %dma_start3A_77 = tpu.memref_slice %arg9[%rem3A_62, %dma_start3A_75, %dma_start3A_76] : memref<6x128x64xf32, #tpu.memory_space<vmem>> -> memref<1x128x64xf32, #tpu.memory_space<vmem>>
        %dma_start3A_78 = tpu.memref_squeeze %dma_start3A_77 : memref<1x128x64xf32, #tpu.memory_space<vmem>> -> memref<128x64xf32, #tpu.memory_space<vmem>>
        %dma_start3A_79 = arith.constant 0 : i32
        %dma_start3A_80 = tpu.memref_slice %arg8[%sub3A_55, %dma_start3A_79] : memref<160x128xi32, #tpu.memory_space<vmem>> -> memref<1x128xi32, #tpu.memory_space<vmem>>
        %dma_start3A_81 = tpu.memref_squeeze %dma_start3A_80 : memref<1x128xi32, #tpu.memory_space<vmem>> -> memref<128xi32, #tpu.memory_space<vmem>>
        %dma_start3A_82 = arith.constant 0 : i32
        %dma_start3A_83 = arith.constant 0 : i32
        %dma_start3A_84 = tpu.memref_slice %arg10[%dma_start3A_82, %dma_start3A_83] : memref<10112x64xf32, #tpu.memory_space<vmem_shared>> -> memref<10112x64xf32, #tpu.memory_space<vmem_shared>>
        %dma_start3A_85 = tpu.memref_slice %arg12[%rem3A_62] : memref<6x!tpu.dma_semaphore, #tpu.memory_space<semaphore_mem>> -> memref<1x!tpu.dma_semaphore, #tpu.memory_space<semaphore_mem>>
        %dma_start3A_86 = tpu.memref_squeeze %dma_start3A_85 : memref<1x!tpu.dma_semaphore, #tpu.memory_space<semaphore_mem>> -> memref<!tpu.dma_semaphore, #tpu.memory_space<semaphore_mem>>
        tpu.enqueue_indirect_dma source(%dma_start3A_78 : memref<128x64xf32, #tpu.memory_space<vmem>>) target(%dma_start3A_84 : memref<10112x64xf32, #tpu.memory_space<vmem_shared>>) offsets(%dma_start3A_81 : memref<128xi32, #tpu.memory_space<vmem>>) semaphore(%dma_start3A_86 : memref<!tpu.dma_semaphore, #tpu.memory_space<semaphore_mem>>) {add = true}
      } else {
      }
    }
    %scan3A_18 = arith.constant 165 : i32
    %scan3A_19 = arith.constant 0 : i32
    %mul3A_20 = arith.constant 1 : i32
    %mul3A_21 = arith.muli %scan3A_19, %mul3A_20 : i32
    %add3A = arith.constant 165 : i32
    %add3A_22 = arith.addi %add3A, %mul3A_21 : i32
    %rem3A = arith.constant 6 : i32
    %rem3A_23 = arith.remsi %add3A_22, %rem3A : i32
    %sub3A = arith.constant 6 : i32
    %sub3A_24 = arith.subi %add3A_22, %sub3A : i32
    %dma_wait3A_25 = arith.constant 0 : i32
    %dma_wait3A_26 = arith.constant 0 : i32
    %dma_wait3A_27 = tpu.memref_slice %arg9[%rem3A_23, %dma_wait3A_25, %dma_wait3A_26] : memref<6x128x64xf32, #tpu.memory_space<vmem>> -> memref<1x128x64xf32, #tpu.memory_space<vmem>>
    %dma_wait3A_28 = tpu.memref_squeeze %dma_wait3A_27 : memref<1x128x64xf32, #tpu.memory_space<vmem>> -> memref<128x64xf32, #tpu.memory_space<vmem>>
    %dma_wait3A_29 = arith.constant 0 : i32
    %dma_wait3A_30 = tpu.memref_slice %arg8[%sub3A_24, %dma_wait3A_29] : memref<160x128xi32, #tpu.memory_space<vmem>> -> memref<1x128xi32, #tpu.memory_space<vmem>>
    %dma_wait3A_31 = tpu.memref_squeeze %dma_wait3A_30 : memref<1x128xi32, #tpu.memory_space<vmem>> -> memref<128xi32, #tpu.memory_space<vmem>>
    %dma_wait3A_32 = arith.constant 0 : i32
    %dma_wait3A_33 = arith.constant 0 : i32
    %dma_wait3A_34 = tpu.memref_slice %arg10[%dma_wait3A_32, %dma_wait3A_33] : memref<10112x64xf32, #tpu.memory_space<vmem_shared>> -> memref<10112x64xf32, #tpu.memory_space<vmem_shared>>
    %dma_wait3A_35 = tpu.memref_slice %arg12[%rem3A_23] : memref<6x!tpu.dma_semaphore, #tpu.memory_space<semaphore_mem>> -> memref<1x!tpu.dma_semaphore, #tpu.memory_space<semaphore_mem>>
    %dma_wait3A_36 = tpu.memref_squeeze %dma_wait3A_35 : memref<1x!tpu.dma_semaphore, #tpu.memory_space<semaphore_mem>> -> memref<!tpu.dma_semaphore, #tpu.memory_space<semaphore_mem>>
    tpu.wait_indirect_dma semaphore(%dma_wait3A_36 : memref<!tpu.dma_semaphore, #tpu.memory_space<semaphore_mem>>) src(%dma_wait3A_28 : memref<128x64xf32, #tpu.memory_space<vmem>>) dst(%dma_wait3A_34 : memref<10112x64xf32, #tpu.memory_space<vmem_shared>>)
    %scan3A_37 = arith.constant 1 : i32
    %barrier3A_38 = arith.constant 0 : index
    tpu.barrier barrier_id(%barrier3A_38)
    "tpu.region"() ({
      %run_scoped3A = tpu.sem_alloc : memref<!tpu.dma_semaphore, #tpu.memory_space<semaphore_mem>>
      %dma_start3A_39 = arith.constant 0 : i32
      %dma_start3A_40 = arith.constant 0 : i32
      %dma_start3A_41 = tpu.memref_slice %arg6[%arg0, %dma_start3A_39, %dma_start3A_40] : memref<2x10112x64xf32, #tpu.memory_space<hbm>> -> memref<1x10112x64xf32, #tpu.memory_space<hbm>>
      %dma_start3A_42 = tpu.memref_squeeze %dma_start3A_41 : memref<1x10112x64xf32, #tpu.memory_space<hbm>> -> memref<10112x64xf32, #tpu.memory_space<hbm>>
      %dma_start3A_43 = arith.constant 0 : i32
      %dma_start3A_44 = tpu.memref_slice %dma_start3A_42[%mul3A_0, %dma_start3A_43] : memref<10112x64xf32, #tpu.memory_space<hbm>> -> memref<632x64xf32, #tpu.memory_space<hbm>>
      %dma_start3A_45 = arith.constant 0 : i32
      %dma_start3A_46 = tpu.memref_slice %arg10[%mul3A_0, %dma_start3A_45] : memref<10112x64xf32, #tpu.memory_space<vmem_shared>> -> memref<632x64xf32, #tpu.memory_space<vmem_shared>>
      tpu.enqueue_dma source(%dma_start3A_46 : memref<632x64xf32, #tpu.memory_space<vmem_shared>>) target(%dma_start3A_44 : memref<632x64xf32, #tpu.memory_space<hbm>>) target_semaphore(%run_scoped3A : memref<!tpu.dma_semaphore, #tpu.memory_space<semaphore_mem>>)
      %dma_wait3A_47 = arith.constant 0 : i32
      %dma_wait3A_48 = arith.constant 0 : i32
      %dma_wait3A_49 = tpu.memref_slice %arg6[%arg0, %dma_wait3A_47, %dma_wait3A_48] : memref<2x10112x64xf32, #tpu.memory_space<hbm>> -> memref<1x10112x64xf32, #tpu.memory_space<hbm>>
      %dma_wait3A_50 = tpu.memref_squeeze %dma_wait3A_49 : memref<1x10112x64xf32, #tpu.memory_space<hbm>> -> memref<10112x64xf32, #tpu.memory_space<hbm>>
      %dma_wait3A_51 = arith.constant 0 : i32
      %dma_wait3A_52 = tpu.memref_slice %dma_wait3A_50[%mul3A_0, %dma_wait3A_51] : memref<10112x64xf32, #tpu.memory_space<hbm>> -> memref<632x64xf32, #tpu.memory_space<hbm>>
      %dma_wait3A_53 = arith.constant 0 : i32
      %dma_wait3A_54 = tpu.memref_slice %arg10[%mul3A_0, %dma_wait3A_53] : memref<10112x64xf32, #tpu.memory_space<vmem_shared>> -> memref<632x64xf32, #tpu.memory_space<vmem_shared>>
      tpu.wait_dma2 semaphore(%run_scoped3A : memref<!tpu.dma_semaphore, #tpu.memory_space<semaphore_mem>>) src(%dma_wait3A_54 : memref<632x64xf32, #tpu.memory_space<vmem_shared>>) dst(%dma_wait3A_52 : memref<632x64xf32, #tpu.memory_space<hbm>>)
      tpu.yield
    }) : () -> ()
    return
  }
}

#map = affine_map<(d0, d1) -> (0, 0)>
#map1 = affine_map<(d0, d1) -> (0, 0, 0)>
module attributes {stable_mosaic.version = 14 : i64} {
  func.func @k(%arg0: i32, %arg1: i32, %arg2: memref<20000x64xf32, #tpu.memory_space<hbm>>, %arg3: memref<2560x128xi32, #tpu.memory_space<hbm>>, %arg4: memref<2560x128xi32, #tpu.memory_space<hbm>>, %arg5: memref<632x64xf32, #tpu.memory_space<hbm>>, %arg6: memref<2x10112x64xf32, #tpu.memory_space<hbm>>, %arg7: memref<160x128xi32, #tpu.memory_space<vmem>>, %arg8: memref<160x128xi32, #tpu.memory_space<vmem>>, %arg9: memref<6x128x64xf32, #tpu.memory_space<vmem>>, %arg10: memref<10112x64xf32, #tpu.memory_space<vmem_shared>>, %arg11: memref<6x!tpu.dma_semaphore, #tpu.memory_space<semaphore_mem>>, %arg12: memref<6x!tpu.dma_semaphore, #tpu.memory_space<semaphore_mem>>) attributes {dimension_semantics = [#tpu.dimension_semantics<core_parallel>, #tpu.dimension_semantics<subcore_parallel>], iteration_bounds = array<i64: 2, 16>, scalar_prefetch = 0 : i64, scratch_operands = 6 : i64, tpu.core_type = #tpu.core_type<sc_vector_subcore>, window_params = [{transform_indices = #map}, {transform_indices = #map}, {transform_indices = #map}, {transform_indices = #map}, {transform_indices = #map1}]} {
    %mul3A = arith.constant 632 : i32
    %mul3A_0 = arith.muli %arg1, %mul3A : i32
    %dma_start3A = arith.constant 0 : i32
    %dma_start3A_1 = tpu.memref_slice %arg11[%dma_start3A] : memref<6x!tpu.dma_semaphore, #tpu.memory_space<semaphore_mem>> -> memref<1x!tpu.dma_semaphore, #tpu.memory_space<semaphore_mem>>
    %dma_start3A_2 = tpu.memref_squeeze %dma_start3A_1 : memref<1x!tpu.dma_semaphore, #tpu.memory_space<semaphore_mem>> -> memref<!tpu.dma_semaphore, #tpu.memory_space<semaphore_mem>>
    %dma_start3A_3 = arith.constant 0 : i32
    %dma_start3A_4 = tpu.memref_slice %arg10[%mul3A_0, %dma_start3A_3] : memref<10112x64xf32, #tpu.memory_space<vmem_shared>> -> memref<632x64xf32, #tpu.memory_space<vmem_shared>>
    tpu.enqueue_dma source(%arg5 : memref<632x64xf32, #tpu.memory_space<hbm>>) target(%dma_start3A_4 : memref<632x64xf32, #tpu.memory_space<vmem_shared>>) target_semaphore(%dma_start3A_2 : memref<!tpu.dma_semaphore, #tpu.memory_space<semaphore_mem>>)
    %mul3A_5 = arith.constant 160 : i32
    %mul3A_6 = arith.muli %arg1, %mul3A_5 : i32
    "tpu.region"() ({
      %run_scoped3A = tpu.sem_alloc : memref<!tpu.dma_semaphore, #tpu.memory_space<semaphore_mem>>
      %dma_start3A_39 = arith.constant 0 : i32
      %dma_start3A_40 = tpu.memref_slice %arg3[%mul3A_6, %dma_start3A_39] : memref<2560x128xi32, #tpu.memory_space<hbm>> -> memref<160x128xi32, #tpu.memory_space<hbm>>
      %dma_start3A_41 = arith.constant 0 : i32
      %dma_start3A_42 = tpu.memref_slice %arg3[%mul3A_6, %dma_start3A_41] : memref<2560x128xi32, #tpu.memory_space<hbm>> -> memref<160x128xi32, #tpu.memory_space<hbm>>
      tpu.enqueue_dma source(%dma_start3A_42 : memref<160x128xi32, #tpu.memory_space<hbm>>) target(%arg7 : memref<160x128xi32, #tpu.memory_space<vmem>>) target_semaphore(%run_scoped3A : memref<!tpu.dma_semaphore, #tpu.memory_space<semaphore_mem>>)
      %dma_wait3A_43 = arith.constant 0 : i32
      %dma_wait3A_44 = tpu.memref_slice %arg3[%mul3A_6, %dma_wait3A_43] : memref<2560x128xi32, #tpu.memory_space<hbm>> -> memref<160x128xi32, #tpu.memory_space<hbm>>
      %dma_wait3A_45 = arith.constant 0 : i32
      %dma_wait3A_46 = tpu.memref_slice %arg3[%mul3A_6, %dma_wait3A_45] : memref<2560x128xi32, #tpu.memory_space<hbm>> -> memref<160x128xi32, #tpu.memory_space<hbm>>
      tpu.wait_dma2 semaphore(%run_scoped3A : memref<!tpu.dma_semaphore, #tpu.memory_space<semaphore_mem>>) src(%dma_wait3A_46 : memref<160x128xi32, #tpu.memory_space<hbm>>) dst(%arg7 : memref<160x128xi32, #tpu.memory_space<vmem>>)
      tpu.yield
    }) : () -> ()
    %mul3A_7 = arith.constant 160 : i32
    %mul3A_8 = arith.muli %arg1, %mul3A_7 : i32
    "tpu.region"() ({
      %run_scoped3A = tpu.sem_alloc : memref<!tpu.dma_semaphore, #tpu.memory_space<semaphore_mem>>
      %dma_start3A_39 = arith.constant 0 : i32
      %dma_start3A_40 = tpu.memref_slice %arg4[%mul3A_8, %dma_start3A_39] : memref<2560x128xi32, #tpu.memory_space<hbm>> -> memref<160x128xi32, #tpu.memory_space<hbm>>
      %dma_start3A_41 = arith.constant 0 : i32
      %dma_start3A_42 = tpu.memref_slice %arg4[%mul3A_8, %dma_start3A_41] : memref<2560x128xi32, #tpu.memory_space<hbm>> -> memref<160x128xi32, #tpu.memory_space<hbm>>
      tpu.enqueue_dma source(%dma_start3A_42 : memref<160x128xi32, #tpu.memory_space<hbm>>) target(%arg8 : memref<160x128xi32, #tpu.memory_space<vmem>>) target_semaphore(%run_scoped3A : memref<!tpu.dma_semaphore, #tpu.memory_space<semaphore_mem>>)
      %dma_wait3A_43 = arith.constant 0 : i32
      %dma_wait3A_44 = tpu.memref_slice %arg4[%mul3A_8, %dma_wait3A_43] : memref<2560x128xi32, #tpu.memory_space<hbm>> -> memref<160x128xi32, #tpu.memory_space<hbm>>
      %dma_wait3A_45 = arith.constant 0 : i32
      %dma_wait3A_46 = tpu.memref_slice %arg4[%mul3A_8, %dma_wait3A_45] : memref<2560x128xi32, #tpu.memory_space<hbm>> -> memref<160x128xi32, #tpu.memory_space<hbm>>
      tpu.wait_dma2 semaphore(%run_scoped3A : memref<!tpu.dma_semaphore, #tpu.memory_space<semaphore_mem>>) src(%dma_wait3A_46 : memref<160x128xi32, #tpu.memory_space<hbm>>) dst(%arg8 : memref<160x128xi32, #tpu.memory_space<vmem>>)
      tpu.yield
    }) : () -> ()
    %eq3A = arith.constant 1 : i32
    %eq3A_9 = arith.cmpi eq, %arg0, %eq3A : i32
    %convert_element_type3A = arith.extui %eq3A_9 : i1 to i32
    %cond3A = arith.constant 0 : i32
    %cond3A_10 = arith.cmpi ne, %convert_element_type3A, %cond3A : i32
    scf.if %cond3A_10 {
      %scan3A_39 = arith.constant 0 : i32
      %scan3A_40 = arith.constant 160 : i32
      %scan3A_41 = arith.addi %scan3A_39, %scan3A_40 : i32
      %scan3A_42 = arith.constant 1 : i32
      scf.for %scan3A_44 = %scan3A_39 to %scan3A_41 step %scan3A_42  : i32 {
        %mul3A_45 = arith.constant 1 : i32
        %mul3A_46 = arith.muli %scan3A_44, %mul3A_45 : i32
        %add3A_47 = arith.constant 0 : i32
        %add3A_48 = arith.addi %add3A_47, %mul3A_46 : i32
        %scan3A_49 = arith.constant 0 : i32
        %scan3A_50 = arith.constant 8 : i32
        %scan3A_51 = arith.addi %scan3A_49, %scan3A_50 : i32
        %scan3A_52 = arith.constant 1 : i32
        scf.for %scan3A_54 = %scan3A_49 to %scan3A_51 step %scan3A_52  : i32 {
          %mul3A_55 = arith.constant 16 : i32
          %mul3A_56 = arith.muli %scan3A_54, %mul3A_55 : i32
          %add3A_57 = arith.constant 0 : i32
          %add3A_58 = arith.addi %add3A_57, %mul3A_56 : i32
          %get3A = arith.index_cast %add3A_48 : i32 to index
          %get3A_59 = arith.index_cast %add3A_58 : i32 to index
          %get3A_60 = tpu.vector_load %arg7[%get3A, %get3A_59] {strides = array<i32>} : memref<160x128xi32, #tpu.memory_space<vmem>>, vector<1x16xi32>,
          %get3A_61 = vector.shape_cast %get3A_60 : vector<1x16xi32> to vector<16xi32>
          %add3A_62 = arith.constant 1 : i32
          %add3A_63 = vector.broadcast %add3A_62 : i32 to vector<16xi32>
          %add3A_64 = arith.addi %get3A_61, %add3A_63 : vector<16xi32>
          %swap3A = arith.index_cast %add3A_48 : i32 to index
          %swap3A_65 = arith.index_cast %add3A_58 : i32 to index
          %swap3A_66 = tpu.vector_load %arg7[%swap3A, %swap3A_65] {strides = array<i32>} : memref<160x128xi32, #tpu.memory_space<vmem>>, vector<1x16xi32>,
          %swap3A_67 = vector.shape_cast %swap3A_66 : vector<1x16xi32> to vector<16xi32>
          %swap3A_68 = vector.shape_cast %add3A_64 : vector<16xi32> to vector<1x16xi32>
          tpu.vector_store %arg7[%swap3A, %swap3A_65], %swap3A_68 {strides = array<i32>} : memref<160x128xi32, #tpu.memory_space<vmem>>, vector<1x16xi32>,
        }
        %scan3A_53 = arith.constant 8 : i32
      }
      %scan3A_43 = arith.constant 160 : i32
    } else {
    }
    %dma_wait3A = arith.constant 0 : i32
    %dma_wait3A_11 = tpu.memref_slice %arg11[%dma_wait3A] : memref<6x!tpu.dma_semaphore, #tpu.memory_space<semaphore_mem>> -> memref<1x!tpu.dma_semaphore, #tpu.memory_space<semaphore_mem>>
    %dma_wait3A_12 = tpu.memref_squeeze %dma_wait3A_11 : memref<1x!tpu.dma_semaphore, #tpu.memory_space<semaphore_mem>> -> memref<!tpu.dma_semaphore, #tpu.memory_space<semaphore_mem>>
    %dma_wait3A_13 = arith.constant 0 : i32
    %dma_wait3A_14 = tpu.memref_slice %arg10[%mul3A_0, %dma_wait3A_13] : memref<10112x64xf32, #tpu.memory_space<vmem_shared>> -> memref<632x64xf32, #tpu.memory_space<vmem_shared>>
    tpu.wait_dma2 semaphore(%dma_wait3A_12 : memref<!tpu.dma_semaphore, #tpu.memory_space<semaphore_mem>>) src(%arg5 : memref<632x64xf32, #tpu.memory_space<hbm>>) dst(%dma_wait3A_14 : memref<632x64xf32, #tpu.memory_space<vmem_shared>>)
    %barrier3A = arith.constant 0 : index
    tpu.barrier barrier_id(%barrier3A)
    %scan3A = arith.constant 0 : i32
    %scan3A_15 = arith.constant 165 : i32
    %scan3A_16 = arith.addi %scan3A, %scan3A_15 : i32
    %scan3A_17 = arith.constant 1 : i32
    scf.for %scan3A_39 = %scan3A to %scan3A_16 step %scan3A_17  : i32 {
      %mul3A_40 = arith.constant 1 : i32
      %mul3A_41 = arith.muli %scan3A_39, %mul3A_40 : i32
      %add3A_42 = arith.constant 0 : i32
      %add3A_43 = arith.addi %add3A_42, %mul3A_41 : i32
      %rem3A_44 = arith.constant 6 : i32
      %rem3A_45 = arith.remsi %add3A_43, %rem3A_44 : i32
      %ge3A = arith.constant 6 : i32
      %ge3A_46 = arith.cmpi sge, %add3A_43, %ge3A : i32
      %convert_element_type3A_47 = arith.extui %ge3A_46 : i1 to i32
      %cond3A_48 = arith.constant 0 : i32
      %cond3A_49 = arith.cmpi ne, %convert_element_type3A_47, %cond3A_48 : i32
      scf.if %cond3A_49 {
        %sub3A_61 = arith.constant 6 : i32
        %sub3A_62 = arith.subi %add3A_43, %sub3A_61 : i32
        %dma_wait3A_63 = arith.constant 0 : i32
        %dma_wait3A_64 = arith.constant 0 : i32
        %dma_wait3A_65 = tpu.memref_slice %arg9[%rem3A_45, %dma_wait3A_63, %dma_wait3A_64] : memref<6x128x64xf32, #tpu.memory_space<vmem>> -> memref<1x128x64xf32, #tpu.memory_space<vmem>>
        %dma_wait3A_66 = tpu.memref_squeeze %dma_wait3A_65 : memref<1x128x64xf32, #tpu.memory_space<vmem>> -> memref<128x64xf32, #tpu.memory_space<vmem>>
        %dma_wait3A_67 = arith.constant 0 : i32
        %dma_wait3A_68 = tpu.memref_slice %arg8[%sub3A_62, %dma_wait3A_67] : memref<160x128xi32, #tpu.memory_space<vmem>> -> memref<1x128xi32, #tpu.memory_space<vmem>>
        %dma_wait3A_69 = tpu.memref_squeeze %dma_wait3A_68 : memref<1x128xi32, #tpu.memory_space<vmem>> -> memref<128xi32, #tpu.memory_space<vmem>>
        %dma_wait3A_70 = arith.constant 0 : i32
        %dma_wait3A_71 = arith.constant 0 : i32
        %dma_wait3A_72 = tpu.memref_slice %arg10[%dma_wait3A_70, %dma_wait3A_71] : memref<10112x64xf32, #tpu.memory_space<vmem_shared>> -> memref<10112x64xf32, #tpu.memory_space<vmem_shared>>
        %dma_wait3A_73 = tpu.memref_slice %arg12[%rem3A_45] : memref<6x!tpu.dma_semaphore, #tpu.memory_space<semaphore_mem>> -> memref<1x!tpu.dma_semaphore, #tpu.memory_space<semaphore_mem>>
        %dma_wait3A_74 = tpu.memref_squeeze %dma_wait3A_73 : memref<1x!tpu.dma_semaphore, #tpu.memory_space<semaphore_mem>> -> memref<!tpu.dma_semaphore, #tpu.memory_space<semaphore_mem>>
        tpu.wait_indirect_dma semaphore(%dma_wait3A_74 : memref<!tpu.dma_semaphore, #tpu.memory_space<semaphore_mem>>) src(%dma_wait3A_66 : memref<128x64xf32, #tpu.memory_space<vmem>>) dst(%dma_wait3A_72 : memref<10112x64xf32, #tpu.memory_space<vmem_shared>>)
      } else {
      }
      %lt3A = arith.constant 160 : i32
      %lt3A_50 = arith.cmpi slt, %add3A_43, %lt3A : i32
      %convert_element_type3A_51 = arith.extui %lt3A_50 : i1 to i32
      %cond3A_52 = arith.constant 0 : i32
      %cond3A_53 = arith.cmpi ne, %convert_element_type3A_51, %cond3A_52 : i32
      scf.if %cond3A_53 {
        %dma_start3A_61 = arith.constant 0 : i32
        %dma_start3A_62 = arith.constant 0 : i32
        %dma_start3A_63 = tpu.memref_slice %arg9[%rem3A_45, %dma_start3A_61, %dma_start3A_62] : memref<6x128x64xf32, #tpu.memory_space<vmem>> -> memref<1x128x64xf32, #tpu.memory_space<vmem>>
        %dma_start3A_64 = tpu.memref_squeeze %dma_start3A_63 : memref<1x128x64xf32, #tpu.memory_space<vmem>> -> memref<128x64xf32, #tpu.memory_space<vmem>>
        %dma_start3A_65 = arith.constant 0 : i32
        %dma_start3A_66 = tpu.memref_slice %arg7[%add3A_43, %dma_start3A_65] : memref<160x128xi32, #tpu.memory_space<vmem>> -> memref<1x128xi32, #tpu.memory_space<vmem>>
        %dma_start3A_67 = tpu.memref_squeeze %dma_start3A_66 : memref<1x128xi32, #tpu.memory_space<vmem>> -> memref<128xi32, #tpu.memory_space<vmem>>
        %dma_start3A_68 = arith.constant 0 : i32
        %dma_start3A_69 = arith.constant 0 : i32
        %dma_start3A_70 = tpu.memref_slice %arg2[%dma_start3A_68, %dma_start3A_69] : memref<20000x64xf32, #tpu.memory_space<hbm>> -> memref<20000x64xf32, #tpu.memory_space<hbm>>
        %dma_start3A_71 = tpu.memref_slice %arg11[%rem3A_45] : memref<6x!tpu.dma_semaphore, #tpu.memory_space<semaphore_mem>> -> memref<1x!tpu.dma_semaphore, #tpu.memory_space<semaphore_mem>>
        %dma_start3A_72 = tpu.memref_squeeze %dma_start3A_71 : memref<1x!tpu.dma_semaphore, #tpu.memory_space<semaphore_mem>> -> memref<!tpu.dma_semaphore, #tpu.memory_space<semaphore_mem>>
        tpu.enqueue_indirect_dma source(%dma_start3A_70 : memref<20000x64xf32, #tpu.memory_space<hbm>>) target(%dma_start3A_64 : memref<128x64xf32, #tpu.memory_space<vmem>>) offsets(%dma_start3A_67 : memref<128xi32, #tpu.memory_space<vmem>>) semaphore(%dma_start3A_72 : memref<!tpu.dma_semaphore, #tpu.memory_space<semaphore_mem>>)
      } else {
      }
      %sub3A_54 = arith.constant 5 : i32
      %sub3A_55 = arith.subi %add3A_43, %sub3A_54 : i32
      %ge3A_56 = arith.constant 0 : i32
      %ge3A_57 = arith.cmpi sge, %sub3A_55, %ge3A_56 : i32
      %convert_element_type3A_58 = arith.extui %ge3A_57 : i1 to i32
      %cond3A_59 = arith.constant 0 : i32
      %cond3A_60 = arith.cmpi ne, %convert_element_type3A_58, %cond3A_59 : i32
      scf.if %cond3A_60 {
        %rem3A_61 = arith.constant 6 : i32
        %rem3A_62 = arith.remsi %sub3A_55, %rem3A_61 : i32
        %dma_wait3A_63 = arith.constant 0 : i32
        %dma_wait3A_64 = arith.constant 0 : i32
        %dma_wait3A_65 = tpu.memref_slice %arg9[%rem3A_62, %dma_wait3A_63, %dma_wait3A_64] : memref<6x128x64xf32, #tpu.memory_space<vmem>> -> memref<1x128x64xf32, #tpu.memory_space<vmem>>
        %dma_wait3A_66 = tpu.memref_squeeze %dma_wait3A_65 : memref<1x128x64xf32, #tpu.memory_space<vmem>> -> memref<128x64xf32, #tpu.memory_space<vmem>>
        %dma_wait3A_67 = arith.constant 0 : i32
        %dma_wait3A_68 = tpu.memref_slice %arg7[%sub3A_55, %dma_wait3A_67] : memref<160x128xi32, #tpu.memory_space<vmem>> -> memref<1x128xi32, #tpu.memory_space<vmem>>
        %dma_wait3A_69 = tpu.memref_squeeze %dma_wait3A_68 : memref<1x128xi32, #tpu.memory_space<vmem>> -> memref<128xi32, #tpu.memory_space<vmem>>
        %dma_wait3A_70 = arith.constant 0 : i32
        %dma_wait3A_71 = arith.constant 0 : i32
        %dma_wait3A_72 = tpu.memref_slice %arg2[%dma_wait3A_70, %dma_wait3A_71] : memref<20000x64xf32, #tpu.memory_space<hbm>> -> memref<20000x64xf32, #tpu.memory_space<hbm>>
        %dma_wait3A_73 = tpu.memref_slice %arg11[%rem3A_62] : memref<6x!tpu.dma_semaphore, #tpu.memory_space<semaphore_mem>> -> memref<1x!tpu.dma_semaphore, #tpu.memory_space<semaphore_mem>>
        %dma_wait3A_74 = tpu.memref_squeeze %dma_wait3A_73 : memref<1x!tpu.dma_semaphore, #tpu.memory_space<semaphore_mem>> -> memref<!tpu.dma_semaphore, #tpu.memory_space<semaphore_mem>>
        tpu.wait_indirect_dma semaphore(%dma_wait3A_74 : memref<!tpu.dma_semaphore, #tpu.memory_space<semaphore_mem>>) src(%dma_wait3A_72 : memref<20000x64xf32, #tpu.memory_space<hbm>>) dst(%dma_wait3A_66 : memref<128x64xf32, #tpu.memory_space<vmem>>)
        %dma_start3A_75 = arith.constant 0 : i32
        %dma_start3A_76 = arith.constant 0 : i32
        %dma_start3A_77 = tpu.memref_slice %arg9[%rem3A_62, %dma_start3A_75, %dma_start3A_76] : memref<6x128x64xf32, #tpu.memory_space<vmem>> -> memref<1x128x64xf32, #tpu.memory_space<vmem>>
        %dma_start3A_78 = tpu.memref_squeeze %dma_start3A_77 : memref<1x128x64xf32, #tpu.memory_space<vmem>> -> memref<128x64xf32, #tpu.memory_space<vmem>>
        %dma_start3A_79 = arith.constant 0 : i32
        %dma_start3A_80 = tpu.memref_slice %arg8[%sub3A_55, %dma_start3A_79] : memref<160x128xi32, #tpu.memory_space<vmem>> -> memref<1x128xi32, #tpu.memory_space<vmem>>
        %dma_start3A_81 = tpu.memref_squeeze %dma_start3A_80 : memref<1x128xi32, #tpu.memory_space<vmem>> -> memref<128xi32, #tpu.memory_space<vmem>>
        %dma_start3A_82 = arith.constant 0 : i32
        %dma_start3A_83 = arith.constant 0 : i32
        %dma_start3A_84 = tpu.memref_slice %arg10[%dma_start3A_82, %dma_start3A_83] : memref<10112x64xf32, #tpu.memory_space<vmem_shared>> -> memref<10112x64xf32, #tpu.memory_space<vmem_shared>>
        %dma_start3A_85 = tpu.memref_slice %arg12[%rem3A_62] : memref<6x!tpu.dma_semaphore, #tpu.memory_space<semaphore_mem>> -> memref<1x!tpu.dma_semaphore, #tpu.memory_space<semaphore_mem>>
        %dma_start3A_86 = tpu.memref_squeeze %dma_start3A_85 : memref<1x!tpu.dma_semaphore, #tpu.memory_space<semaphore_mem>> -> memref<!tpu.dma_semaphore, #tpu.memory_space<semaphore_mem>>
        tpu.enqueue_indirect_dma source(%dma_start3A_78 : memref<128x64xf32, #tpu.memory_space<vmem>>) target(%dma_start3A_84 : memref<10112x64xf32, #tpu.memory_space<vmem_shared>>) offsets(%dma_start3A_81 : memref<128xi32, #tpu.memory_space<vmem>>) semaphore(%dma_start3A_86 : memref<!tpu.dma_semaphore, #tpu.memory_space<semaphore_mem>>) {add = true}
      } else {
      }
    }
    %scan3A_18 = arith.constant 165 : i32
    %scan3A_19 = arith.constant 0 : i32
    %mul3A_20 = arith.constant 1 : i32
    %mul3A_21 = arith.muli %scan3A_19, %mul3A_20 : i32
    %add3A = arith.constant 165 : i32
    %add3A_22 = arith.addi %add3A, %mul3A_21 : i32
    %rem3A = arith.constant 6 : i32
    %rem3A_23 = arith.remsi %add3A_22, %rem3A : i32
    %sub3A = arith.constant 6 : i32
    %sub3A_24 = arith.subi %add3A_22, %sub3A : i32
    %dma_wait3A_25 = arith.constant 0 : i32
    %dma_wait3A_26 = arith.constant 0 : i32
    %dma_wait3A_27 = tpu.memref_slice %arg9[%rem3A_23, %dma_wait3A_25, %dma_wait3A_26] : memref<6x128x64xf32, #tpu.memory_space<vmem>> -> memref<1x128x64xf32, #tpu.memory_space<vmem>>
    %dma_wait3A_28 = tpu.memref_squeeze %dma_wait3A_27 : memref<1x128x64xf32, #tpu.memory_space<vmem>> -> memref<128x64xf32, #tpu.memory_space<vmem>>
    %dma_wait3A_29 = arith.constant 0 : i32
    %dma_wait3A_30 = tpu.memref_slice %arg8[%sub3A_24, %dma_wait3A_29] : memref<160x128xi32, #tpu.memory_space<vmem>> -> memref<1x128xi32, #tpu.memory_space<vmem>>
    %dma_wait3A_31 = tpu.memref_squeeze %dma_wait3A_30 : memref<1x128xi32, #tpu.memory_space<vmem>> -> memref<128xi32, #tpu.memory_space<vmem>>
    %dma_wait3A_32 = arith.constant 0 : i32
    %dma_wait3A_33 = arith.constant 0 : i32
    %dma_wait3A_34 = tpu.memref_slice %arg10[%dma_wait3A_32, %dma_wait3A_33] : memref<10112x64xf32, #tpu.memory_space<vmem_shared>> -> memref<10112x64xf32, #tpu.memory_space<vmem_shared>>
    %dma_wait3A_35 = tpu.memref_slice %arg12[%rem3A_23] : memref<6x!tpu.dma_semaphore, #tpu.memory_space<semaphore_mem>> -> memref<1x!tpu.dma_semaphore, #tpu.memory_space<semaphore_mem>>
    %dma_wait3A_36 = tpu.memref_squeeze %dma_wait3A_35 : memref<1x!tpu.dma_semaphore, #tpu.memory_space<semaphore_mem>> -> memref<!tpu.dma_semaphore, #tpu.memory_space<semaphore_mem>>
    tpu.wait_indirect_dma semaphore(%dma_wait3A_36 : memref<!tpu.dma_semaphore, #tpu.memory_space<semaphore_mem>>) src(%dma_wait3A_28 : memref<128x64xf32, #tpu.memory_space<vmem>>) dst(%dma_wait3A_34 : memref<10112x64xf32, #tpu.memory_space<vmem_shared>>)
    %scan3A_37 = arith.constant 1 : i32
    %barrier3A_38 = arith.constant 0 : index
    tpu.barrier barrier_id(%barrier3A_38)
    "tpu.region"() ({
      %run_scoped3A = tpu.sem_alloc : memref<!tpu.dma_semaphore, #tpu.memory_space<semaphore_mem>>
      %dma_start3A_39 = arith.constant 0 : i32
      %dma_start3A_40 = arith.constant 0 : i32
      %dma_start3A_41 = tpu.memref_slice %arg6[%arg0, %dma_start3A_39, %dma_start3A_40] : memref<2x10112x64xf32, #tpu.memory_space<hbm>> -> memref<1x10112x64xf32, #tpu.memory_space<hbm>>
      %dma_start3A_42 = tpu.memref_squeeze %dma_start3A_41 : memref<1x10112x64xf32, #tpu.memory_space<hbm>> -> memref<10112x64xf32, #tpu.memory_space<hbm>>
      %dma_start3A_43 = arith.constant 0 : i32
      %dma_start3A_44 = tpu.memref_slice %dma_start3A_42[%mul3A_0, %dma_start3A_43] : memref<10112x64xf32, #tpu.memory_space<hbm>> -> memref<632x64xf32, #tpu.memory_space<hbm>>
      %dma_start3A_45 = arith.constant 0 : i32
      %dma_start3A_46 = tpu.memref_slice %arg10[%mul3A_0, %dma_start3A_45] : memref<10112x64xf32, #tpu.memory_space<vmem_shared>> -> memref<632x64xf32, #tpu.memory_space<vmem_shared>>
      tpu.enqueue_dma source(%dma_start3A_46 : memref<632x64xf32, #tpu.memory_space<vmem_shared>>) target(%dma_start3A_44 : memref<632x64xf32, #tpu.memory_space<hbm>>) target_semaphore(%run_scoped3A : memref<!tpu.dma_semaphore, #tpu.memory_space<semaphore_mem>>)
      %dma_wait3A_47 = arith.constant 0 : i32
      %dma_wait3A_48 = arith.constant 0 : i32
      %dma_wait3A_49 = tpu.memref_slice %arg6[%arg0, %dma_wait3A_47, %dma_wait3A_48] : memref<2x10112x64xf32, #tpu.memory_space<hbm>> -> memref<1x10112x64xf32, #tpu.memory_space<hbm>>
      %dma_wait3A_50 = tpu.memref_squeeze %dma_wait3A_49 : memref<1x10112x64xf32, #tpu.memory_space<hbm>> -> memref<10112x64xf32, #tpu.memory_space<hbm>>
      %dma_wait3A_51 = arith.constant 0 : i32
      %dma_wait3A_52 = tpu.memref_slice %dma_wait3A_50[%mul3A_0, %dma_wait3A_51] : memref<10112x64xf32, #tpu.memory_space<hbm>> -> memref<632x64xf32, #tpu.memory_space<hbm>>
      %dma_wait3A_53 = arith.constant 0 : i32
      %dma_wait3A_54 = tpu.memref_slice %arg10[%mul3A_0, %dma_wait3A_53] : memref<10112x64xf32, #tpu.memory_space<vmem_shared>> -> memref<632x64xf32, #tpu.memory_space<vmem_shared>>
      tpu.wait_dma2 semaphore(%run_scoped3A : memref<!tpu.dma_semaphore, #tpu.memory_space<semaphore_mem>>) src(%dma_wait3A_54 : memref<632x64xf32, #tpu.memory_space<vmem_shared>>) dst(%dma_wait3A_52 : memref<632x64xf32, #tpu.memory_space<hbm>>)
      tpu.yield
    }) : () -> ()
    return
  }
}

module attributes {stable_mosaic.version = 14 : i64} {
  func.func @body(%arg0: memref<10000x128xf32, #tpu.memory_space<vmem>>, %arg1: memref<2x10112x64xf32, #tpu.memory_space<vmem>>, %arg2: memref<1x10000xi32, #tpu.memory_space<vmem>>, %arg3: memref<128x128xf32, #tpu.memory_space<vmem>>, %arg4: memref<128xf32, #tpu.memory_space<vmem>>, %arg5: memref<128x128xf32, #tpu.memory_space<vmem>>, %arg6: memref<128xf32, #tpu.memory_space<vmem>>, %arg7: memref<128xf32, #tpu.memory_space<vmem>>, %arg8: memref<128xf32, #tpu.memory_space<vmem>>, %arg9: memref<10000x128xf32, #tpu.memory_space<vmem>>, %arg10: memref<256x128xf32, #tpu.memory_space<vmem>>) attributes {dimension_semantics = [], scalar_prefetch = 0 : i64, scratch_operands = 0 : i64, tpu.core_type = #tpu.core_type<tc>} {
    %get3A = arith.constant 0 : index
    %get3A_0 = arith.constant 0 : index
    %get3A_1 = vector.load %arg0[%get3A, %get3A_0] : memref<10000x128xf32, #tpu.memory_space<vmem>>, vector<10000x128xf32>
    %get3A_2 = arith.constant 0 : index
    %get3A_3 = arith.constant 0 : index
    %get3A_4 = arith.constant 0 : index
    %get3A_5 = vector.load %arg1[%get3A_2, %get3A_3, %get3A_4] : memref<2x10112x64xf32, #tpu.memory_space<vmem>>, vector<1x10000x64xf32>
    %get3A_6 = vector.shape_cast %get3A_5 : vector<1x10000x64xf32> to vector<10000x64xf32>
    %get3A_7 = arith.constant 1 : index
    %get3A_8 = arith.constant 0 : index
    %get3A_9 = arith.constant 0 : index
    %get3A_10 = vector.load %arg1[%get3A_7, %get3A_8, %get3A_9] : memref<2x10112x64xf32, #tpu.memory_space<vmem>>, vector<1x10000x64xf32>
    %get3A_11 = vector.shape_cast %get3A_10 : vector<1x10000x64xf32> to vector<10000x64xf32>
    %concatenate3A = tpu.concatenate %get3A_6, %get3A_11 in 1 : vector<10000x64xf32>, vector<10000x64xf32> -> vector<10000x128xf32>
    %add3A = arith.addf %get3A_1, %concatenate3A : vector<10000x128xf32>
    %get3A_12 = arith.constant 0 : index
    %get3A_13 = arith.constant 0 : index
    %get3A_14 = vector.load %arg3[%get3A_12, %get3A_13] : memref<128x128xf32, #tpu.memory_space<vmem>>, vector<128x128xf32>
    %dot_general3A = arith.constant dense<0.000000e+00> : vector<10000x128xf32>
    %dot_general3A_15 = tpu.matmul %add3A, %get3A_14, %dot_general3A {dimension_numbers = #tpu.dot_dimension_numbers<[1], [0], [0], [1], [0, 0, 1, 1], [], []>, transpose_lhs_hint = false} : vector<10000x128xf32>, vector<128x128xf32>, vector<10000x128xf32> -> vector<10000x128xf32>
    %get3A_16 = arith.constant 0 : index
    %get3A_17 = vector.load %arg4[%get3A_16] : memref<128xf32, #tpu.memory_space<vmem>>, vector<128xf32>
    %broadcast_in_dim3A = vector.shape_cast %get3A_17 : vector<128xf32> to vector<1x128xf32>
    %add3A_18 = vector.broadcast %broadcast_in_dim3A : vector<1x128xf32> to vector<10000x128xf32>
    %add3A_19 = arith.addf %dot_general3A_15, %add3A_18 : vector<10000x128xf32>
    %max3A = arith.constant 0.000000e+00 : f32
    %max3A_20 = vector.broadcast %max3A : f32 to vector<10000x128xf32>
    %max3A_21 = arith.maximumf %add3A_19, %max3A_20 : vector<10000x128xf32>
    %get3A_22 = arith.constant 0 : index
    %get3A_23 = arith.constant 0 : index
    %get3A_24 = vector.load %arg5[%get3A_22, %get3A_23] : memref<128x128xf32, #tpu.memory_space<vmem>>, vector<128x128xf32>
    %dot_general3A_25 = arith.constant dense<0.000000e+00> : vector<10000x128xf32>
    %dot_general3A_26 = tpu.matmul %max3A_21, %get3A_24, %dot_general3A_25 {dimension_numbers = #tpu.dot_dimension_numbers<[1], [0], [0], [1], [0, 0, 1, 1], [], []>, transpose_lhs_hint = false} : vector<10000x128xf32>, vector<128x128xf32>, vector<10000x128xf32> -> vector<10000x128xf32>
    %get3A_27 = arith.constant 0 : index
    %get3A_28 = vector.load %arg6[%get3A_27] : memref<128xf32, #tpu.memory_space<vmem>>, vector<128xf32>
    %broadcast_in_dim3A_29 = vector.shape_cast %get3A_28 : vector<128xf32> to vector<1x128xf32>
    %add3A_30 = vector.broadcast %broadcast_in_dim3A_29 : vector<1x128xf32> to vector<10000x128xf32>
    %add3A_31 = arith.addf %dot_general3A_26, %add3A_30 : vector<10000x128xf32>
    %max3A_32 = arith.constant 0.000000e+00 : f32
    %max3A_33 = vector.broadcast %max3A_32 : f32 to vector<10000x128xf32>
    %max3A_34 = arith.maximumf %add3A_31, %max3A_33 : vector<10000x128xf32>
    %reduce_sum3A = arith.constant dense<0.000000e+00> : vector<128xf32>
    %reduce_sum3A_35 = vector.multi_reduction <add>, %max3A_34, %reduce_sum3A [0] : vector<10000x128xf32> to vector<128xf32>
    %div3A = arith.constant 1.000000e+04 : f32
    %div3A_36 = vector.broadcast %div3A : f32 to vector<128xf32>
    %div3A_37 = arith.divf %reduce_sum3A_35, %div3A_36 : vector<128xf32>
    %broadcast_in_dim3A_38 = vector.shape_cast %div3A_37 : vector<128xf32> to vector<1x128xf32>
    %sub3A = vector.broadcast %broadcast_in_dim3A_38 : vector<1x128xf32> to vector<10000x128xf32>
    %sub3A_39 = arith.subf %max3A_34, %sub3A : vector<10000x128xf32>
    %mul3A = arith.mulf %sub3A_39, %sub3A_39 : vector<10000x128xf32>
    %reduce_sum3A_40 = arith.constant dense<0.000000e+00> : vector<128xf32>
    %reduce_sum3A_41 = vector.multi_reduction <add>, %mul3A, %reduce_sum3A_40 [0] : vector<10000x128xf32> to vector<128xf32>
    %div3A_42 = arith.constant 1.000000e+04 : f32
    %div3A_43 = vector.broadcast %div3A_42 : f32 to vector<128xf32>
    %div3A_44 = arith.divf %reduce_sum3A_41, %div3A_43 : vector<128xf32>
    %add3A_45 = arith.constant 9.99999974E-6 : f32
    %add3A_46 = vector.broadcast %add3A_45 : f32 to vector<128xf32>
    %add3A_47 = arith.addf %div3A_44, %add3A_46 : vector<128xf32>
    %rsqrt3A = math.rsqrt %add3A_47 : vector<128xf32>
    %broadcast_in_dim3A_48 = vector.shape_cast %rsqrt3A : vector<128xf32> to vector<1x128xf32>
    %mul3A_49 = vector.broadcast %broadcast_in_dim3A_48 : vector<1x128xf32> to vector<10000x128xf32>
    %mul3A_50 = arith.mulf %sub3A_39, %mul3A_49 : vector<10000x128xf32>
    %get3A_51 = arith.constant 0 : index
    %get3A_52 = vector.load %arg7[%get3A_51] : memref<128xf32, #tpu.memory_space<vmem>>, vector<128xf32>
    %broadcast_in_dim3A_53 = vector.shape_cast %get3A_52 : vector<128xf32> to vector<1x128xf32>
    %mul3A_54 = vector.broadcast %broadcast_in_dim3A_53 : vector<1x128xf32> to vector<10000x128xf32>
    %mul3A_55 = arith.mulf %mul3A_50, %mul3A_54 : vector<10000x128xf32>
    %get3A_56 = arith.constant 0 : index
    %get3A_57 = vector.load %arg8[%get3A_56] : memref<128xf32, #tpu.memory_space<vmem>>, vector<128xf32>
    %broadcast_in_dim3A_58 = vector.shape_cast %get3A_57 : vector<128xf32> to vector<1x128xf32>
    %add3A_59 = vector.broadcast %broadcast_in_dim3A_58 : vector<1x128xf32> to vector<10000x128xf32>
    %add3A_60 = arith.addf %mul3A_55, %add3A_59 : vector<10000x128xf32>
    %swap3A = arith.constant 0 : index
    %swap3A_61 = arith.constant 0 : index
    %swap3A_62 = vector.load %arg9[%swap3A, %swap3A_61] : memref<10000x128xf32, #tpu.memory_space<vmem>>, vector<10000x128xf32>
    tpu.vector_store %arg9[%swap3A, %swap3A_61], %add3A_60 {strides = array<i32>} : memref<10000x128xf32, #tpu.memory_space<vmem>>, vector<10000x128xf32>,
    %iota3A = tpu.iota {dimensions = array<i32: 0>} : vector<256x10000xi32>
    %get3A_63 = arith.constant 0 : index
    %get3A_64 = arith.constant 0 : index
    %get3A_65 = vector.load %arg2[%get3A_63, %get3A_64] : memref<1x10000xi32, #tpu.memory_space<vmem>>, vector<1x10000xi32>
    %eq3A = vector.broadcast %get3A_65 : vector<1x10000xi32> to vector<256x10000xi32>
    %eq3A_66 = arith.cmpi eq, %eq3A, %iota3A : vector<256x10000xi32>
    %convert_element_type3A = arith.extui %eq3A_66 : vector<256x10000xi1> to vector<256x10000xi32>
    %convert_element_type3A_67 = arith.sitofp %convert_element_type3A : vector<256x10000xi32> to vector<256x10000xf32>
    %dot_general3A_68 = arith.constant dense<0.000000e+00> : vector<256x128xf32>
    %dot_general3A_69 = tpu.matmul %convert_element_type3A_67, %add3A_60, %dot_general3A_68 {dimension_numbers = #tpu.dot_dimension_numbers<[1], [0], [0], [1], [0, 0, 1, 1], [], []>, precision = #tpu.contract_precision<fp32>, transpose_lhs_hint = false} : vector<256x10000xf32>, vector<10000x128xf32>, vector<256x128xf32> -> vector<256x128xf32>
    %swap3A_70 = arith.constant 0 : index
    %swap3A_71 = arith.constant 0 : index
    %swap3A_72 = vector.load %arg10[%swap3A_70, %swap3A_71] : memref<256x128xf32, #tpu.memory_space<vmem>>, vector<256x128xf32>
    tpu.vector_store %arg10[%swap3A_70, %swap3A_71], %dot_general3A_69 {strides = array<i32>} : memref<256x128xf32, #tpu.memory_space<vmem>>, vector<256x128xf32>,
    return
  }
}

</mosaic_0001>

<sc_bundles>
// kernel: kernel.11.cloned.1.call-start
scs
__scs_entry_jumppad:
0x0: {  	(pc) =	sbr.rel $0x88, $3  }
0x1: {  	(tag) =	ssettag $0x0;
	lr =	simm.s32 $0x1  }
0x2: {  	[smem:$0x3F8C] =	sst lr;
	_ =	strace $0xD0000000  }
0x3: {  	_ = 	snop  }
0x4: {  	_ = 	snop  }
0x5: {  	_ = 	snop  }
0x6: {  	_ = 	snop  }
0x7: {  	_ = 	snop  }
__scs_overlays_trampoline_lowered:
0x8: {  	[smem:$0x3F9B] =	sst s0  }
0x9: {  	[smem:$0x3F9C] =	sst s1  }
0xa: {  	[smem:$0x3F9D] =	sst s2  }
0xb: {  	[smem:$0x3F9E] =	sst s3  }
0xc: {  	[smem:$0x3F9F] =	sst s4  }
0xd: {  	[smem:$0x3FA0] =	sst s5  }
0xe: {  	[smem:$0x3FA1] =	sst s6  }
0xf: {  	[smem:$0x3FA2] =	sst s7  }
0x10: {  	[smem:$0x3FA3] =	sst s8  }
0x11: {  	[smem:$0x3FA4] =	sst s9;
	s0 =	simm.s32 @!p0 $0x0  }
0x12: {  	s1 =	sld [smem:$0x3F8A];
	s0 =	simm.s32 @p0 $0x1  }
0x13: {  	[smem:$0x3FA5] =	sst s0;
	s0 =	simm.s32 @!p1 $0x0  }
0x14: {  	s2 =	sld [smem:$0x3F89];
	s0 =	simm.s32 @p1 $0x1  }
0x15: {  	[smem:$0x3FA6] =	sst s0;
	s0 =	simm.s32 @!p2 $0x0  }
0x16: {  	s3 =	sld [smem:$0x3FDB];
	s0 =	simm.s32 @p2 $0x1  }
0x17: {  	s4 =	simm.s32 $0x1BF5;
	[smem:$0x3FA8] =	sst s0  }
0x18: {  	s0 =	sld [smem:$0x3F8B];
	_ =	swait.ge [sflag:s4], $0x0  }
0x19: {  	s7 =	sld [smem:$0x3F8C]  }
0x1a: {  	s8 =	sadd.s32 $0xFFFFE003, lr  }
0x1b: {  	s9 =	sadd.s32 $0xFFFFFEF7, lr;
	s5 =	simm.s32 $0xFFFFFFFF;
	p2 =	slt.u32 s8, $0xFFFFF086  }
0x1c: {  	p1 =	slt.u32 s9, $0xF7A;
	s5 =	simm.s32 @!p2 $0x0  }
0x1d: {  	s5 =	simm.s32 @p1 $0x1;
	p0 =	seq.s32 s7, s2  }
0x1e: {  	s7 =	smul.u32 @!p0 $0xF7A, s2;
	p2 =	seq.s32 @!p0 s5, $0x0  }
0x1f: {  	s9 =	smul.u32 $0xF7A, s1;
	s8 =	simm.s32 @!p0 $0x1BF5;
	p2 =	por !p2, p0  }
0x20: {  	[sflag:s8] =	ssyncset.s32 @!p0 $0xFFFFF086;
	s6 =	sadd.s32 @!p0 s3, s7;
	s7 =	simm.s32 @!p0 $0x108  }
0x21: {  	s3 =	sadd.s32 s3, s9;
	s6 =	sadd.s32 @!p0 $0x88, s6;
	s7 =	simm.s32 @p2 $0x1082  }
0x22: {  	[simem:s7], [sflag:s8] =	dma.local @!p0 [hbm:s6], $0xF7A  }
0x23: {  	s9 =	sor.u32 $0xD0000000, s2;
	s6 =	simm.s32 $0x108;
	_ =	swait.ge @!p0 [sflag:s8], $0x0  }
0x24: {  	s3 =	sadd.s32 $0x88, s3;
	s6 =	simm.s32 @!p1 $0x1082;
	[sflag:s4] =	ssyncset.s32 $0xFFFFF086  }
0x25: {  	[simem:s6], [sflag:s4] =	dma.local [hbm:s3], $0xF7A  }
0x26: {  	[smem:$0x3F8C] =	sst s1;
	(tag) =	ssettag s2;
	_ =	strace s9  }
0x27: {  	s1 =	sld [smem:$0x3F9C]  }
0x28: {  	s2 =	sld [smem:$0x3F9D]  }
0x29: {  	s4 =	sld [smem:$0x3F9F]  }
0x2a: {  	p0 =	seq.s32 s5, $0x0;
	s5 =	sld [smem:$0x3FA0]  }
0x2b: {  	s6 =	sld [smem:$0x3FA1]  }
0x2c: {  	s7 =	sld [smem:$0x3FA2]  }
0x2d: {  	s3 =	simm.s32 $0x108;
	s8 =	sld [smem:$0x3FA3]  }
0x2e: {  	s3 =	simm.s32 @!p0 $0x1082;
	s9 =	sld [smem:$0x3FA4]  }
0x2f: {  	lr =	sadd.s32 s0, s3;
	s0 =	sld [smem:$0x3F9B]  }
0x30: {  	s3 =	sld [smem:$0x3F9E]  }
0x31: {  	[smem:$0x3FA7] =	sst s10  }
0x32: {  	s10 =	sld [smem:$0x3FA5];
	_ =	sdelay $0x3  }
0x33: {  	p0 =	seq.s32 s10, $0x1;
	s10 =	sld [smem:$0x3FA7];
	_ =	sdelay $0x3  }
0x34: {  	[smem:$0x3FA7] =	sst s10  }
0x35: {  	s10 =	sld [smem:$0x3FA6];
	_ =	sdelay $0x3  }
0x36: {  	p1 =	seq.s32 s10, $0x1;
	s10 =	sld [smem:$0x3FA7];
	_ =	sdelay $0x3  }
0x37: {  	[smem:$0x3FA7] =	sst s10  }
0x38: {  	s10 =	sld [smem:$0x3FA8]  }
0x39: {  	_ = 	snop;
	(pc) =	sbr.ind lr, $3  }
0x3a: {  	_ = 	snop  }
0x3b: {  	_ = 	snop  }
0x3c: {  	p2 =	seq.s32 s10, $0x1;
	s10 =	sld [smem:$0x3FA7]  }
0x3d: {  	_ =	shalt  }
0x3e: {  	_ =	shalt  }
0x3f: {  	_ =	shalt  }
0x40: {  	_ =	shalt  }
0x41: {  	_ =	shalt  }
0x42: {  	_ =	shalt  }
0x43: {  	_ =	shalt  }
0x44: {  	_ =	shalt  }
0x45: {  	_ =	shalt  }
0x46: {  	_ =	shalt  }
0x47: {  	_ =	shalt  }
0x48: {  	_ =	shalt  }
0x49: {  	_ =	shalt  }
0x4a: {  	_ =	shalt  }
0x4b: {  	_ =	shalt  }
0x4c: {  	_ =	shalt  }
0x4d: {  	_ =	shalt  }
0x4e: {  	_ =	shalt  }
0x4f: {  	_ =	shalt  }
0x50: {  	_ =	shalt  }
0x51: {  	_ =	shalt  }
0x52: {  	_ =	shalt  }
0x53: {  	_ =	shalt  }
0x54: {  	_ =	shalt  }
0x55: {  	_ =	shalt  }
0x56: {  	_ =	shalt  }
0x57: {  	_ =	shalt  }
0x58: {  	_ =	shalt  }
0x59: {  	_ =	shalt  }
0x5a: {  	_ =	shalt  }
0x5b: {  	_ =	shalt  }
0x5c: {  	_ =	shalt  }
0x5d: {  	_ =	shalt  }
0x5e: {  	_ =	shalt  }
0x5f: {  	_ =	shalt  }
0x60: {  	_ =	shalt  }
0x61: {  	_ =	shalt  }
0x62: {  	_ =	shalt  }
0x63: {  	_ =	shalt  }
0x64: {  	_ =	shalt  }
0x65: {  	_ =	shalt  }
0x66: {  	_ =	shalt  }
0x67: {  	_ =	shalt  }
0x68: {  	_ =	shalt  }
0x69: {  	_ =	shalt  }
0x6a: {  	_ =	shalt  }
0x6b: {  	_ =	shalt  }
0x6c: {  	_ =	shalt  }
0x6d: {  	_ =	shalt  }
0x6e: {  	_ =	shalt  }
0x6f: {  	_ =	shalt  }
0x70: {  	_ =	shalt  }
0x71: {  	_ =	shalt  }
0x72: {  	_ =	shalt  }
0x73: {  	_ =	shalt  }
0x74: {  	_ =	shalt  }
0x75: {  	_ =	shalt  }
0x76: {  	_ =	shalt  }
0x77: {  	_ =	shalt  }
0x78: {  	_ =	shalt  }
0x79: {  	_ =	shalt  }
0x7a: {  	_ =	shalt  }
0x7b: {  	_ =	shalt  }
0x7c: {  	_ =	shalt  }
0x7d: {  	_ =	shalt  }
0x7e: {  	_ =	shalt  }
0x7f: {  	_ =	shalt  }
0x80: {  	_ =	shalt  }
0x81: {  	_ =	shalt  }
0x82: {  	_ =	shalt  }
0x83: {  	_ =	shalt  }
0x84: {  	_ =	shalt  }
0x85: {  	_ =	shalt  }
0x86: {  	_ =	shalt  }
0x87: {  	_ =	shalt  }
.Lfunc_end0:
.L_simem_size_0:
called_computation.1_lowered:
.L_overlay_start_0:
0x88: {  	s2 =	sld [smem:$0x3FD9]  }
0x89: {  	s3 =	sld [smem:$0x3FFE];
	_ =	sdelay $0x1  }
0x8a: {  	s1 =	srdreg.scid  }
0x8b: {  	s0 =	sand.u32 $0x1, s1  }
0x8c: {  	s14 =	sshll.u32 s0, $0xA;
	s2 =	sadd.s32 s3, s2  }
0x8d: {  	s2 =	sadd.s32 s2, s14  }
0x8e: {  	[smem:$0x3FB3] =	sst s2  }
0x8f: {  	_ = 	snop  }
0x90: {  	s2 =	sld [smem:$0x3FD0];
	_ =	sdelay $0x2  }
0x91: {  	s15 =	simm.s32 $0xA;
	s4 =	simm.s32 $0x10  }
0x92: {  	[smem:s4], [sflag:s15] =	dma.local [hbm:s2], $0x1  }
0x93: {  	_ =	swait.eq [sflag:s15], $0x1  }
0x94: {  	[sflag:s15] =	ssyncset.done $0x0  }
0x95: {  	[sflag:s15] =	ssyncadd.s32 $0xFFFFFFFF  }
0x96: {  	s16 =	sld [smem:$0x10];
	(tm) =	ssettm $0x1  }
0x97: {  	s17 =	sld [smem:$0x3FFB];
	_ =	sdelay $0x3  }
0x98: {  	_ =	strace s17  }
0x99: {  	s3 =	sld [smem:$0x3FFC];
	_ =	sdelay $0x3  }
0x9a: {  	_ =	strace s3  }
0x9b: {  	s3 =	sld [smem:$0x3FFD];
	_ =	sdelay $0x3  }
0x9c: {  	_ =	strace s3  }
0x9d: {  	_ =	strace $0x8FFFFFFF  }
0x9e: {  	s18 =	sld [smem:$0x3FDB];
	_ =	sdelay $0x1  }
0x9f: {  	s19 =	simm.s32 $_scs_section_size  }
0xa0: {  	s5 =	simm.s32 $_size__tile_overlayer_lowered;
	s6 =	simm.s32 $_tile_overlayer_lowered  }
0xa1: {  	s22 =	simm.s32 $0x1BFF;
	s21 =	sshll.u32 s6, $0x1;
	s3 =	sadd.s32 s19, s18  }
0xa2: {  	s7 =	simm.s32 $0x0;
	s20 =	sshll.u32 s5, $0x1;
	s5 =	sadd.s32 s21, s3  }
0xa3: {  	[timem:s7], [sflag:s22] =	dma.local [hbm:s5], s20  }
0xa4: {  	_ =	swait.ge [sflag:s22], s20  }
0xa5: {  	s4 =	ssub.s32 $0x0, s20;
	[sflag:s22] =	ssyncset.done $0x0  }
0xa6: {  	[sflag:s22] =	ssyncadd.s32 s4;
	_ =	sdelay $0x1  }
0xa7: {  	s23 =	simm.s32 $0x1B8B  }
0xa8: {  	_ =	swait.ge [sflag:s23], $0x1  }
0xa9: {  	[sflag:s23] =	ssyncset.done $0x0  }
0xaa: {  	s25 =	simm.s32 $0x1B8E;
	s24 =	sld [smem:$0x3FFE];
	[sflag:s23] =	ssyncadd.s32 $0xFFFFFFFF  }
0xab: {  	s26 =	simm.s32 $execute0_lowered;
	[smem:$0x3FD2] =	sst s25  }
0xac: {  	s5 =	sshll.u32 s26, $0x1;
	_ =	strace $0x80000049;
	[dreg:$0x1] =	wrdreg $0xFFFFFFFF  }
0xad: {  	s28 =	simm.s32 $_size_execute0_lowered;
	s3 =	sadd.s32 s3, s5;
	[dreg:$0x0] =	wrdreg $0x0  }
0xae: {  	s5 =	sshll.u32 s28, $0x1;
	[dreg:$0x2] =	wrdreg s3  }
0xaf: {  	[dreg:$0x3] =	wrdreg s5  }
0xb0: {  	[dreg:$0x4] =	wrdreg $0xC0  }
0xb1: {  	_ =	task [dreg:s7], $0x5FFFF  }
0xb2: {  	[dreg:$0x1] =	wrdreg $0xFFFFFFFF  }
0xb3: {  	[dreg:$0x0] =	wrdreg $0x60  }
0xb4: {  	[dreg:$0x2] =	wrdreg s24  }
0xb5: {  	[dreg:$0x3] =	wrdreg s16  }
0xb6: {  	[dreg:$0x4] =	wrdreg $0x160000  }
0xb7: {  	[dreg:$0x5] =	wrdreg $0x9  }
0xb8: {  	_ =	task.clear_ibuf [dreg:s7], $0x6FFFF;
	_ =	strace $0x90000049  }
0xb9: {  	s29 =	simm.s32 $0x9;
	_ =	strace $0x8000004B  }
0xba: {  	_ =	swait.ge [sflag:s29], $0x1  }
0xbb: {  	[sflag:s29] =	ssyncadd.s32 $0xFFFFFFFF  }
0xbc: {  	_ =	strace $0x9000004B  }
0xbd: {  	_ =	sfence  }
0xbe: {  	s30 =	sld [smem:$0x0];
	_ =	sdelay $0x2  }
0xbf: {  	s31 =	sshll.u32 s1, $0xD;
	s1 =	sshrl.u32 s1, $0x2  }
0xc0: {  	s3 =	sand.u32 $0x4000, s31;
	s1 =	sadd.s32 s1, s30  }
0xc1: {  	s0 =	sor.u32 s3, s0;
	s1 =	sshll.u32 s1, $0x11  }
0xc2: {  	s0 =	sor.u32 s1, s0  }
0xc3: {  	s0 =	sadd.s32 $0x8F2B, s0  }
0xc4: {  	[sflag:s0] =	ssyncadd.remote.s32 $0x1  }
0xc5: {  	_ =	sfence.sel $0xFFFF  }
0xc6: {  	[dreg:$0x0] =	wrdreg $0xFFFFFFFF;
	(pc) =	sbr.abs _section_cstart, $3  }
0xc7: {  	[dreg:$0x1] =	wrdreg $0xFFFFFFFF  }
0xc8: {  	_ =	task.clear_ibuf [dreg:s7], $0x2FFFF;
	_ =	strace $0x9FFFFFFF  }
0xc9: {  	(tm) =	ssettm $0x7FFFFFFF  }
tec
execute0_lowered:
.L_overlay_start_1:
0x0: {  	(tag) =	ssettag $0x1  }
0x1: {  	s6 =	rddreg [dreg:$0x0]  }
0x2: {  	s2 =	rddreg [dreg:$0x1]  }
0x3: {  	s3 =	rddreg [dreg:$0x2]  }
0x4: {  	s0 =	rddreg [dreg:$0x3]  }
0x5: {  	s4 =	simm.s32 $0x0;
	s1 =	stileid.u32;
	s5 =	srdreg.scid  }
0x6: {  	s16 =	simm.s32 $0xA;
	[smem:$0x7FF] =	sst s4;
	s7 =	smul.u32 $0xA00, s1  }
0x7: {  	s11 =	sand.u32 $0x1, s5;
	s5 =	sadd.s32 $0x15200, s6;
	s10 =	smul.u32 $0x9E00, s1  }
0x8: {  	_ =	strace $0x8000004A;
	s8 =	smul.u32 $0x13C00, s11;
	s9 =	ssub.s32 $0x2, s11  }
0x9: {  	p0 =	seq.s32 s11, $0x0;
	s12 =	sadd.s32 s7, s6;
	s31 =	sshrl.u32 s9, $0x1  }
0xa: {  	s15 =	sadd.s32 s10, s3;
	s18 =	sshrl.u32 s10, $0x3;
	s13 =	sadd.s32 s8, s6  }
.Ltmp0:
0xb: {  	s14 =	ssub.s32 s9, s31;
	s6 =	sshll.u32 s1, $0x6;
	(pc) =	sbr.rel .LBB2_1-.Ltmp0, $4  }
0xc: {  	s8 =	sadd.s32 $0xB200, s12;
	s9 =	sadd.s32 $0x1200, s12;
	s11 =	sshrl.u32 s15, $0x3  }
0xd: {  	s12 =	simm.s32 $0xD;
	s15 =	simm.s32 $0x80;
	s7 =	sor.u32 $0x1C01, s6  }
0xe: {  	s17 =	sadd.s32 $0x3E000, s13;
	s10 =	smax.u32 s14, $0x1;
	s13 =	simm.s32 $0x5000  }
0xf: {  	s14 =	simm.s32 $0x1;
	s17 =	sadd.s32 s18, s17;
	s18 =	simm.s32 $0x0  }
.LBB2_11:
0x10: {  	_ =	swait.ge [sflag:s16], $0x2000  }
0x11: {  	s18 =	sadd.s32 $0x1, s18;
	[sflag:s16] =	ssyncset.done $0x0  }
0x12: {  	p1 =	sne.s32 s18, s10;
	[sflag:s16] =	ssyncadd.s32 $0xFFFFE000  }
.Ltmp1:
0x13: {  	s19 =	sor.u32 $0x1C0D, s6;
	[bflag:$0x0] =	sbarrier.arrive $0xFFFF;
	(pc) =	sbr.rel @!p1 .LBB2_12-.Ltmp1, $4  }
0x14: {  	[hbm:s17], [sflag:s19] =	dma.local [spmem:s11], $0x13C0  }
0x15: {  	_ =	swait.ge [sflag:s12], $0x13C0  }
0x16: {  	[sflag:s12] =	ssyncset.done $0x0  }
0x17: {  	[sflag:s12] =	ssyncadd.s32 $0xFFFFEC40  }
.LBB2_1:
0x18: {  	[spmem:s11], [sflag:s7] =	dma.local [hbm:s2], $0x13C0  }
0x19: {  	[tilespmem:s4], [sflag:$0xD] =	stream.linear.gather [hbm4b:s8+s4], $0x5000, $0x38;
	[tilespmem:$0x1FE00] =	vst v63  }
0x1a: {  	_ =	swait.ge [sflag:s12], $0x5000  }
0x1b: {  	[sflag:s12] =	ssyncset.done $0x0  }
.Ltmp2:
0x1c: {  	[sflag:s12] =	ssyncadd.s32 $0xFFFFB000;
	(pc) =	sbr.rel @p0 .LBB2_5-.Ltmp2, $4  }
0x1d: {  	[tilespmem:s13], [sflag:$0xD] =	stream.linear.gather [hbm4b:s9+s4], $0x5000, $0x38;
	[tilespmem:$0x1FE00] =	vst v63  }
0x1e: {  	_ =	swait.ge [sflag:s12], $0x5000  }
0x1f: {  	[sflag:s12] =	ssyncset.done $0x0  }
0x20: {  	[sflag:s12] =	ssyncadd.s32 $0xFFFFB000  }
0x21: {  	s19 =	simm.s32 $0x70  }
0x22: {  	v2 =	vld [tilespmem:s19+$0xFFFFFF90]  }
0x23: {  	v4 =	vld [tilespmem:s19+$0xFFFFFFA0]  }
0x24: {  	v3 =	vld [tilespmem:s19+$0xFFFFFFB0]  }
0x25: {  	v1 =	vld [tilespmem:s19+$0xFFFFFFC0]  }
0x26: {  	v0 =	vld [tilespmem:s19+$0xFFFFFFD0]  }
0x27: {  	s20 =	simm.s32 $0x3C0;
	v5 =	vadd.s32 $0x1, v2;
	v2 =	vld [tilespmem:s19+$0xFFFFFFE0]  }
.LBB2_3:
0x28: {  	p1 =	sne.s32 s20, $0x13FC0;
	[tilespmem:s19+$0xFFFFFF90] =	vst v5;
	v4 =	vadd.s32 $0x1, v4;
	v5 =	vld [tilespmem:s19+$0x0]  }
0x29: {  	s21 =	sshra.s32 s20, $0x2;
	[tilespmem:s19+$0xFFFFFFA0] =	vst v4;
	v3 =	vadd.s32 $0x1, v3;
	v6 =	vld [tilespmem:s19+$0xFFFFFFF0]  }
0x2a: {  	v7 =	vld [tilespmem:s21+$0xFFFFFF90];
	[tilespmem:s19+$0xFFFFFFB0] =	vst v3;
	v1 =	vadd.s32 $0x1, v1  }
.Ltmp3:
0x2b: {  	v4 =	vld [tilespmem:s21+$0xFFFFFFA0];
	[tilespmem:s19+$0xFFFFFFC0] =	vst v1;
	v0 =	vadd.s32 $0x1, v0;
	(pc) =	sbr.rel @p1 .LBB2_3-.Ltmp3, $4  }
0x2c: {  	v3 =	vld [tilespmem:s21+$0xFFFFFFB0];
	[tilespmem:s19+$0xFFFFFFD0] =	vst v0;
	v0 =	vadd.s32 $0x1, v2  }
0x2d: {  	v1 =	vld [tilespmem:s21+$0xFFFFFFC0];
	[tilespmem:s19+$0xFFFFFFE0] =	vst v0;
	v2 =	vadd.s32 $0x1, v5  }
0x2e: {  	v0 =	vld [tilespmem:s21+$0xFFFFFFD0];
	v6 =	vadd.s32 $0x1, v6;
	[tilespmem:s19+$0x0] =	vst v2  }
0x2f: {  	s20 =	sadd.s32 $0x200, s20;
	v5 =	vadd.s32 $0x1, v7;
	v2 =	vld [tilespmem:s21+$0xFFFFFFE0];
	[tilespmem:s19+$0xFFFFFFF0] =	vst v6;
	s19 =	smov.u32 s21  }
0x30: {  	[tilespmem:s19+$0xFFFFFF90] =	vst v5;
	v4 =	vadd.s32 $0x1, v4;
	v59 =	vld [tilespmem:s19+$0x0]  }
0x31: {  	v60 =	vld [tilespmem:s19+$0xFFFFFFF0];
	[tilespmem:s19+$0xFFFFFFA0] =	vst v4;
	v3 =	vadd.s32 $0x1, v3  }
0x32: {  	[tilespmem:s19+$0xFFFFFFB0] =	vst v3;
	v1 =	vadd.s32 $0x1, v1  }
0x33: {  	[tilespmem:s19+$0xFFFFFFC0] =	vst v1;
	v0 =	vadd.s32 $0x1, v0  }
0x34: {  	[tilespmem:s19+$0xFFFFFFD0] =	vst v0;
	v61 =	vadd.s32 $0x1, v2  }
0x35: {  	[tilespmem:s19+$0xFFFFFFE0] =	vst v61;
	v62 =	vadd.s32 $0x1, v59  }
0x36: {  	v63 =	vadd.s32 $0x1, v60;
	[tilespmem:s19+$0x0] =	vst v62  }
0x37: {  	[tilespmem:s19+$0xFFFFFFF0] =	vst v63  }
.LBB2_5:
.Ltmp4:
0x38: {  	_ =	swait.ge [sflag:s14], $0x13C0;
	(pc) =	sbr.rel .LBB2_6-.Ltmp4, $4  }
0x39: {  	[sflag:s14] =	ssyncset.done $0x0  }
0x3a: {  	[sflag:s14] =	ssyncadd.s32 $0xFFFFEC40  }
0x3b: {  	[bflag:$0x0] =	sbarrier.arrive $0xFFFF  }
0x3c: {  	s19 =	simm.s32 $0x0;
	s20 =	simm.s32 $0xFFFFFFFB;
	s21 =	simm.s32 $0x4D80  }
.LBB2_7:
0x3d: {  	s24 =	sadd.s32 $0x7, s22  }
0x3e: {  	p1 =	sgt.u32 s23, $0x9F;
	_ =	swait.ge [sflag:s24], $0x2000  }
0x3f: {  	s23 =	sshll.u32 @!p1 s22, $0xD;
	s22 =	sadd.s32 @!p1 $0x1, s22;
	[sflag:s24] =	ssyncset.done $0x0  }
0x40: {  	s23 =	sadd.s32 @!p1 $0xA000, s23;
	[sflag:s24] =	ssyncadd.s32 $0xFFFFE000;
	s24 =	simm.s32 @!p1 $0x80  }
0x41: {  	[tilespmem:s23], [sflag:s22] =	stream.indirect.gather @!p1 [hbm4b:s5+s24], $0x40, s19, s24, $0xb8;
	[tilespmem:$0x1FE00] =	vst v63  }
.LBB2_9:
0x42: {  	s22 =	sand.u32 $0xFF, s20  }
0x43: {  	s22 =	smul.u32 $0xAB, s22;
	_ =	sdelay $0x1  }
0x44: {  	s22 =	sshrl.u32 s22, $0xA  }
0x45: {  	s22 =	smul.u32 $0x6, s22;
	_ =	sdelay $0x1  }
0x46: {  	s22 =	ssub.s32 s20, s22  }
0x47: {  	s22 =	sand.u32 $0xFF, s22  }
0x48: {  	s23 =	sadd.s32 $0x1, s22  }
0x49: {  	_ =	swait.ge [sflag:s23], $0x2000  }
0x4a: {  	s24 =	sshll.u32 s22, $0xD;
	[sflag:s23] =	ssyncset.done $0x0  }
0x4b: {  	s22 =	sadd.s32 $0x7, s22;
	s24 =	sadd.s32 $0xA000, s24;
	[sflag:s23] =	ssyncadd.s32 $0xFFFFE000  }
0x4c: {  	[spmem:s3] =	stream.indirect.scatter.add.f32 [tilespmem:s24], [sflag:s22], $0x40, s21, s15, $0xb8;
	[tilespmem:$0x1FE00] =	vst v63  }
.LBB2_10:
0x4d: {  	s20 =	sadd.s32 $0x1, s20  }
0x4e: {  	p1 =	sne.s32 s20, $0xA0  }
.Ltmp5:
0x4f: {  	_ = 	snop;
	(pc) =	sbr.rel @!p1 .LBB2_11-.Ltmp5, $2  }
0x50: {  	_ =	sdelay $0x2  }
0x51: {  	s19 =	sadd.s32 $0x80, s19;
	s21 =	sadd.s32 $0x80, s21  }
.LBB2_6:
0x52: {  	s23 =	sadd.s32 $0x5, s20  }
0x53: {  	s22 =	smul.u32 $0xAB, s23;
	_ =	sdelay $0x1  }
0x54: {  	p1 =	slt.u32 s23, $0x6;
	s22 =	sshrl.u32 s22, $0xA  }
.Ltmp6:
0x55: {  	s22 =	sand.u32 $0x3F, s22;
	(pc) =	sbr.rel @!p1 .LBB2_7-.Ltmp6, $3  }
0x56: {  	s22 =	smul.u32 $0x6, s22;
	_ =	sdelay $0x1  }
0x57: {  	s22 =	ssub.s32 s23, s22  }
0x58: {  	s22 =	sand.u32 $0xFF, s22  }
0x59: {  	p1 =	sne.s32 s20, $0x0  }
.Ltmp7:
0x5a: {  	_ = 	snop;
	(pc) =	sbr.rel @p1 .LBB2_10-.Ltmp7, $4  }
.Ltmp8:
0x5b: {  	_ = 	snop;
	(pc) =	sbr.rel @!p1 .LBB2_9-.Ltmp8, $4  }
0x5c: {  	s23 =	sshll.u32 s22, $0xD  }
0x5d: {  	s31 =	sadd.s32 $0x1, s22;
	s23 =	sadd.s32 $0xA000, s23  }
0x5e: {  	[tilespmem:s23], [sflag:s31] =	stream.indirect.gather [hbm4b:s5+s15], $0x40, s19, s15, $0xb8;
	[tilespmem:$0x1FE00] =	vst v63  }
0x5f: {  	_ = 	snop  }
.LBB2_12:
0x60: {  	_ =	sfence.sel $0x180000  }
0x61: {  	[bflag:$0x0] =	sbarrier.arrive $0xFFFF  }
0x62: {  	p0 =	sne.s32 s1, $0x0;
	_ =	strace $0x9000004A  }
0x63: {  	s0 =	sadd.s32 @!p0 $0x100000, s0;
	[bflag:$0x2] =	sbarrier.arrive $0xFFFF  }
0x64: {  	[sflag:s0] =	ssyncadd.tile.s32 @!p0 $0x1;
	_ =	shalt  }
.Lfunc_end2:
_tile_overlayer_lowered:
.L_overlay_start_2:
0x65: {  	(tag) =	ssettag $0x2  }
0x66: {  	s0 =	rddreg [dreg:$0x0];
	s2 =	stileid.u32  }
0x67: {  	s1 =	rddreg [dreg:$0x1];
	p0 =	sne.s32 s2, $0x0  }
0x68: {  	s3 =	rddreg [dreg:$0x2];
	[bflag:$0x3] =	sbarrier.arrive $0xFFFF;
	s2 =	simm.s32 @!p0 $0x1C0D  }
0x69: {  	[timem:s3], [sflag:s2] =	dma.local @!p0 [hbm:s0], s1  }
0x6a: {  	s0 =	simm.s32 @!p0 $0xD  }
0x6b: {  	_ =	swait.ge @!p0 [sflag:s0], s1  }
0x6c: {  	s1 =	ssub.s32 @!p0 $0x0, s1;
	[sflag:s0] =	ssyncset.done @!p0 $0x0  }
0x6d: {  	[sflag:s0] =	ssyncadd.s32 @!p0 s1  }
0x6e: {  	[bflag:$0x3] =	sbarrier.arrive $0xFFFF  }
0x6f: {  	_ =	shalt  }

// kernel: kernel.14.cloned.1.call-start
scs
__scs_entry_jumppad:
0x0: {  	(pc) =	sbr.rel $0x88, $3  }
0x1: {  	(tag) =	ssettag $0x0;
	lr =	simm.s32 $0x1  }
0x2: {  	[smem:$0x3F8C] =	sst lr;
	_ =	strace $0xD0000000  }
0x3: {  	_ = 	snop  }
0x4: {  	_ = 	snop  }
0x5: {  	_ = 	snop  }
0x6: {  	_ = 	snop  }
0x7: {  	_ = 	snop  }
__scs_overlays_trampoline_lowered:
0x8: {  	[smem:$0x3F9B] =	sst s0  }
0x9: {  	[smem:$0x3F9C] =	sst s1  }
0xa: {  	[smem:$0x3F9D] =	sst s2  }
0xb: {  	[smem:$0x3F9E] =	sst s3  }
0xc: {  	[smem:$0x3F9F] =	sst s4  }
0xd: {  	[smem:$0x3FA0] =	sst s5  }
0xe: {  	[smem:$0x3FA1] =	sst s6  }
0xf: {  	[smem:$0x3FA2] =	sst s7  }
0x10: {  	[smem:$0x3FA3] =	sst s8  }
0x11: {  	[smem:$0x3FA4] =	sst s9;
	s0 =	simm.s32 @!p0 $0x0  }
0x12: {  	s1 =	sld [smem:$0x3F8A];
	s0 =	simm.s32 @p0 $0x1  }
0x13: {  	[smem:$0x3FA5] =	sst s0;
	s0 =	simm.s32 @!p1 $0x0  }
0x14: {  	s2 =	sld [smem:$0x3F89];
	s0 =	simm.s32 @p1 $0x1  }
0x15: {  	[smem:$0x3FA6] =	sst s0;
	s0 =	simm.s32 @!p2 $0x0  }
0x16: {  	s3 =	sld [smem:$0x3FDB];
	s0 =	simm.s32 @p2 $0x1  }
0x17: {  	s4 =	simm.s32 $0x1BF5;
	[smem:$0x3FA8] =	sst s0  }
0x18: {  	s0 =	sld [smem:$0x3F8B];
	_ =	swait.ge [sflag:s4], $0x0  }
0x19: {  	s7 =	sld [smem:$0x3F8C]  }
0x1a: {  	s8 =	sadd.s32 $0xFFFFE003, lr  }
0x1b: {  	s9 =	sadd.s32 $0xFFFFFEF7, lr;
	s5 =	simm.s32 $0xFFFFFFFF;
	p2 =	slt.u32 s8, $0xFFFFF086  }
0x1c: {  	p1 =	slt.u32 s9, $0xF7A;
	s5 =	simm.s32 @!p2 $0x0  }
0x1d: {  	s5 =	simm.s32 @p1 $0x1;
	p0 =	seq.s32 s7, s2  }
0x1e: {  	s7 =	smul.u32 @!p0 $0xF7A, s2;
	p2 =	seq.s32 @!p0 s5, $0x0  }
0x1f: {  	s9 =	smul.u32 $0xF7A, s1;
	s8 =	simm.s32 @!p0 $0x1BF5;
	p2 =	por !p2, p0  }
0x20: {  	[sflag:s8] =	ssyncset.s32 @!p0 $0xFFFFF086;
	s6 =	sadd.s32 @!p0 s3, s7;
	s7 =	simm.s32 @!p0 $0x108  }
0x21: {  	s3 =	sadd.s32 s3, s9;
	s6 =	sadd.s32 @!p0 $0x88, s6;
	s7 =	simm.s32 @p2 $0x1082  }
0x22: {  	[simem:s7], [sflag:s8] =	dma.local @!p0 [hbm:s6], $0xF7A  }
0x23: {  	s9 =	sor.u32 $0xD0000000, s2;
	s6 =	simm.s32 $0x108;
	_ =	swait.ge @!p0 [sflag:s8], $0x0  }
0x24: {  	s3 =	sadd.s32 $0x88, s3;
	s6 =	simm.s32 @!p1 $0x1082;
	[sflag:s4] =	ssyncset.s32 $0xFFFFF086  }
0x25: {  	[simem:s6], [sflag:s4] =	dma.local [hbm:s3], $0xF7A  }
0x26: {  	[smem:$0x3F8C] =	sst s1;
	(tag) =	ssettag s2;
	_ =	strace s9  }
0x27: {  	s1 =	sld [smem:$0x3F9C]  }
0x28: {  	s2 =	sld [smem:$0x3F9D]  }
0x29: {  	s4 =	sld [smem:$0x3F9F]  }
0x2a: {  	p0 =	seq.s32 s5, $0x0;
	s5 =	sld [smem:$0x3FA0]  }
0x2b: {  	s6 =	sld [smem:$0x3FA1]  }
0x2c: {  	s7 =	sld [smem:$0x3FA2]  }
0x2d: {  	s3 =	simm.s32 $0x108;
	s8 =	sld [smem:$0x3FA3]  }
0x2e: {  	s3 =	simm.s32 @!p0 $0x1082;
	s9 =	sld [smem:$0x3FA4]  }
0x2f: {  	lr =	sadd.s32 s0, s3;
	s0 =	sld [smem:$0x3F9B]  }
0x30: {  	s3 =	sld [smem:$0x3F9E]  }
0x31: {  	[smem:$0x3FA7] =	sst s10  }
0x32: {  	s10 =	sld [smem:$0x3FA5];
	_ =	sdelay $0x3  }
0x33: {  	p0 =	seq.s32 s10, $0x1;
	s10 =	sld [smem:$0x3FA7];
	_ =	sdelay $0x3  }
0x34: {  	[smem:$0x3FA7] =	sst s10  }
0x35: {  	s10 =	sld [smem:$0x3FA6];
	_ =	sdelay $0x3  }
0x36: {  	p1 =	seq.s32 s10, $0x1;
	s10 =	sld [smem:$0x3FA7];
	_ =	sdelay $0x3  }
0x37: {  	[smem:$0x3FA7] =	sst s10  }
0x38: {  	s10 =	sld [smem:$0x3FA8]  }
0x39: {  	_ = 	snop;
	(pc) =	sbr.ind lr, $3  }
0x3a: {  	_ = 	snop  }
0x3b: {  	_ = 	snop  }
0x3c: {  	p2 =	seq.s32 s10, $0x1;
	s10 =	sld [smem:$0x3FA7]  }
0x3d: {  	_ =	shalt  }
0x3e: {  	_ =	shalt  }
0x3f: {  	_ =	shalt  }
0x40: {  	_ =	shalt  }
0x41: {  	_ =	shalt  }
0x42: {  	_ =	shalt  }
0x43: {  	_ =	shalt  }
0x44: {  	_ =	shalt  }
0x45: {  	_ =	shalt  }
0x46: {  	_ =	shalt  }
0x47: {  	_ =	shalt  }
0x48: {  	_ =	shalt  }
0x49: {  	_ =	shalt  }
0x4a: {  	_ =	shalt  }
0x4b: {  	_ =	shalt  }
0x4c: {  	_ =	shalt  }
0x4d: {  	_ =	shalt  }
0x4e: {  	_ =	shalt  }
0x4f: {  	_ =	shalt  }
0x50: {  	_ =	shalt  }
0x51: {  	_ =	shalt  }
0x52: {  	_ =	shalt  }
0x53: {  	_ =	shalt  }
0x54: {  	_ =	shalt  }
0x55: {  	_ =	shalt  }
0x56: {  	_ =	shalt  }
0x57: {  	_ =	shalt  }
0x58: {  	_ =	shalt  }
0x59: {  	_ =	shalt  }
0x5a: {  	_ =	shalt  }
0x5b: {  	_ =	shalt  }
0x5c: {  	_ =	shalt  }
0x5d: {  	_ =	shalt  }
0x5e: {  	_ =	shalt  }
0x5f: {  	_ =	shalt  }
0x60: {  	_ =	shalt  }
0x61: {  	_ =	shalt  }
0x62: {  	_ =	shalt  }
0x63: {  	_ =	shalt  }
0x64: {  	_ =	shalt  }
0x65: {  	_ =	shalt  }
0x66: {  	_ =	shalt  }
0x67: {  	_ =	shalt  }
0x68: {  	_ =	shalt  }
0x69: {  	_ =	shalt  }
0x6a: {  	_ =	shalt  }
0x6b: {  	_ =	shalt  }
0x6c: {  	_ =	shalt  }
0x6d: {  	_ =	shalt  }
0x6e: {  	_ =	shalt  }
0x6f: {  	_ =	shalt  }
0x70: {  	_ =	shalt  }
0x71: {  	_ =	shalt  }
0x72: {  	_ =	shalt  }
0x73: {  	_ =	shalt  }
0x74: {  	_ =	shalt  }
0x75: {  	_ =	shalt  }
0x76: {  	_ =	shalt  }
0x77: {  	_ =	shalt  }
0x78: {  	_ =	shalt  }
0x79: {  	_ =	shalt  }
0x7a: {  	_ =	shalt  }
0x7b: {  	_ =	shalt  }
0x7c: {  	_ =	shalt  }
0x7d: {  	_ =	shalt  }
0x7e: {  	_ =	shalt  }
0x7f: {  	_ =	shalt  }
0x80: {  	_ =	shalt  }
0x81: {  	_ =	shalt  }
0x82: {  	_ =	shalt  }
0x83: {  	_ =	shalt  }
0x84: {  	_ =	shalt  }
0x85: {  	_ =	shalt  }
0x86: {  	_ =	shalt  }
0x87: {  	_ =	shalt  }
.Lfunc_end0:
.L_simem_size_0:
called_computation.2_lowered:
.L_overlay_start_0:
0x88: {  	s2 =	sld [smem:$0x3FD9]  }
0x89: {  	s3 =	sld [smem:$0x3FFE];
	_ =	sdelay $0x1  }
0x8a: {  	s1 =	srdreg.scid  }
0x8b: {  	s0 =	sand.u32 $0x1, s1  }
0x8c: {  	s14 =	sshll.u32 s0, $0xA;
	s2 =	sadd.s32 s3, s2  }
0x8d: {  	s2 =	sadd.s32 s2, s14  }
0x8e: {  	[smem:$0x3FB3] =	sst s2  }
0x8f: {  	_ = 	snop  }
0x90: {  	s2 =	sld [smem:$0x3FD0];
	_ =	sdelay $0x2  }
0x91: {  	s15 =	simm.s32 $0xA;
	s4 =	simm.s32 $0x10  }
0x92: {  	[smem:s4], [sflag:s15] =	dma.local [hbm:s2], $0x1  }
0x93: {  	_ =	swait.eq [sflag:s15], $0x1  }
0x94: {  	[sflag:s15] =	ssyncset.done $0x0  }
0x95: {  	[sflag:s15] =	ssyncadd.s32 $0xFFFFFFFF  }
0x96: {  	s16 =	sld [smem:$0x10];
	(tm) =	ssettm $0x1  }
0x97: {  	s17 =	sld [smem:$0x3FFB];
	_ =	sdelay $0x3  }
0x98: {  	_ =	strace s17  }
0x99: {  	s3 =	sld [smem:$0x3FFC];
	_ =	sdelay $0x3  }
0x9a: {  	_ =	strace s3  }
0x9b: {  	s3 =	sld [smem:$0x3FFD];
	_ =	sdelay $0x3  }
0x9c: {  	_ =	strace s3  }
0x9d: {  	_ =	strace $0x8FFFFFFF  }
0x9e: {  	s18 =	sld [smem:$0x3FDB];
	_ =	sdelay $0x1  }
0x9f: {  	s19 =	simm.s32 $_scs_section_size  }
0xa0: {  	s5 =	simm.s32 $_size__tile_overlayer_lowered;
	s6 =	simm.s32 $_tile_overlayer_lowered  }
0xa1: {  	s22 =	simm.s32 $0x1BFF;
	s21 =	sshll.u32 s6, $0x1;
	s3 =	sadd.s32 s19, s18  }
0xa2: {  	s7 =	simm.s32 $0x0;
	s20 =	sshll.u32 s5, $0x1;
	s5 =	sadd.s32 s21, s3  }
0xa3: {  	[timem:s7], [sflag:s22] =	dma.local [hbm:s5], s20  }
0xa4: {  	_ =	swait.ge [sflag:s22], s20  }
0xa5: {  	s4 =	ssub.s32 $0x0, s20;
	[sflag:s22] =	ssyncset.done $0x0  }
0xa6: {  	[sflag:s22] =	ssyncadd.s32 s4;
	_ =	sdelay $0x1  }
0xa7: {  	s23 =	simm.s32 $0x1B8B  }
0xa8: {  	_ =	swait.ge [sflag:s23], $0x1  }
0xa9: {  	[sflag:s23] =	ssyncset.done $0x0  }
0xaa: {  	s25 =	simm.s32 $0x1B8E;
	s24 =	sld [smem:$0x3FFE];
	[sflag:s23] =	ssyncadd.s32 $0xFFFFFFFF  }
0xab: {  	s26 =	simm.s32 $execute0_lowered;
	[smem:$0x3FD2] =	sst s25  }
0xac: {  	s5 =	sshll.u32 s26, $0x1;
	_ =	strace $0x8000004C;
	[dreg:$0x1] =	wrdreg $0xFFFFFFFF  }
0xad: {  	s28 =	simm.s32 $_size_execute0_lowered;
	s3 =	sadd.s32 s3, s5;
	[dreg:$0x0] =	wrdreg $0x0  }
0xae: {  	s5 =	sshll.u32 s28, $0x1;
	[dreg:$0x2] =	wrdreg s3  }
0xaf: {  	[dreg:$0x3] =	wrdreg s5  }
0xb0: {  	[dreg:$0x4] =	wrdreg $0xC0  }
0xb1: {  	_ =	task [dreg:s7], $0x5FFFF  }
0xb2: {  	[dreg:$0x1] =	wrdreg $0xFFFFFFFF  }
0xb3: {  	[dreg:$0x0] =	wrdreg $0x60  }
0xb4: {  	[dreg:$0x2] =	wrdreg s24  }
0xb5: {  	[dreg:$0x3] =	wrdreg s16  }
0xb6: {  	[dreg:$0x4] =	wrdreg $0x160000  }
0xb7: {  	[dreg:$0x5] =	wrdreg $0x9  }
0xb8: {  	_ =	task.clear_ibuf [dreg:s7], $0x6FFFF;
	_ =	strace $0x9000004C  }
0xb9: {  	s29 =	simm.s32 $0x9;
	_ =	strace $0x8000004E  }
0xba: {  	_ =	swait.ge [sflag:s29], $0x1  }
0xbb: {  	[sflag:s29] =	ssyncadd.s32 $0xFFFFFFFF  }
0xbc: {  	_ =	strace $0x9000004E  }
0xbd: {  	_ =	sfence  }
0xbe: {  	s30 =	sld [smem:$0x0];
	_ =	sdelay $0x2  }
0xbf: {  	s31 =	sshll.u32 s1, $0xD;
	s1 =	sshrl.u32 s1, $0x2  }
0xc0: {  	s3 =	sand.u32 $0x4000, s31;
	s1 =	sadd.s32 s1, s30  }
0xc1: {  	s0 =	sor.u32 s3, s0;
	s1 =	sshll.u32 s1, $0x11  }
0xc2: {  	s0 =	sor.u32 s1, s0  }
0xc3: {  	s0 =	sadd.s32 $0x8F2B, s0  }
0xc4: {  	[sflag:s0] =	ssyncadd.remote.s32 $0x1  }
0xc5: {  	_ =	sfence.sel $0xFFFF  }
0xc6: {  	[dreg:$0x0] =	wrdreg $0xFFFFFFFF;
	(pc) =	sbr.abs _section_cstart, $3  }
0xc7: {  	[dreg:$0x1] =	wrdreg $0xFFFFFFFF  }
0xc8: {  	_ =	task.clear_ibuf [dreg:s7], $0x2FFFF;
	_ =	strace $0x9FFFFFFF  }
0xc9: {  	(tm) =	ssettm $0x7FFFFFFF  }
tec
execute0_lowered:
.L_overlay_start_1:
0x0: {  	(tag) =	ssettag $0x1  }
0x1: {  	s6 =	rddreg [dreg:$0x0]  }
0x2: {  	s2 =	rddreg [dreg:$0x1]  }
0x3: {  	s3 =	rddreg [dreg:$0x2]  }
0x4: {  	s0 =	rddreg [dreg:$0x3]  }
0x5: {  	s4 =	simm.s32 $0x0;
	s1 =	stileid.u32;
	s5 =	srdreg.scid  }
0x6: {  	s16 =	simm.s32 $0xA;
	[smem:$0x7FF] =	sst s4;
	s7 =	smul.u32 $0xA00, s1  }
0x7: {  	s11 =	sand.u32 $0x1, s5;
	s5 =	sadd.s32 $0x3E000, s6;
	s10 =	smul.u32 $0x9E00, s1  }
0x8: {  	_ =	strace $0x8000004D;
	s8 =	smul.u32 $0x13C00, s11;
	s9 =	ssub.s32 $0x2, s11  }
0x9: {  	p0 =	seq.s32 s11, $0x0;
	s12 =	sadd.s32 s7, s6;
	s31 =	sshrl.u32 s9, $0x1  }
0xa: {  	s15 =	sadd.s32 s10, s3;
	s18 =	sshrl.u32 s10, $0x3;
	s13 =	sadd.s32 s8, s6  }
.Ltmp0:
0xb: {  	s14 =	ssub.s32 s9, s31;
	s6 =	sshll.u32 s1, $0x6;
	(pc) =	sbr.rel .LBB2_1-.Ltmp0, $4  }
0xc: {  	s8 =	sadd.s32 $0xB200, s12;
	s9 =	sadd.s32 $0x1200, s12;
	s11 =	sshrl.u32 s15, $0x3  }
0xd: {  	s12 =	simm.s32 $0xD;
	s15 =	simm.s32 $0x80;
	s7 =	sor.u32 $0x1C01, s6  }
0xe: {  	s17 =	sadd.s32 $0x66200, s13;
	s10 =	smax.u32 s14, $0x1;
	s13 =	simm.s32 $0x5000  }
0xf: {  	s14 =	simm.s32 $0x1;
	s17 =	sadd.s32 s18, s17;
	s18 =	simm.s32 $0x0  }
.LBB2_11:
0x10: {  	_ =	swait.ge [sflag:s16], $0x2000  }
0x11: {  	s18 =	sadd.s32 $0x1, s18;
	[sflag:s16] =	ssyncset.done $0x0  }
0x12: {  	p1 =	sne.s32 s18, s10;
	[sflag:s16] =	ssyncadd.s32 $0xFFFFE000  }
.Ltmp1:
0x13: {  	s19 =	sor.u32 $0x1C0D, s6;
	[bflag:$0x0] =	sbarrier.arrive $0xFFFF;
	(pc) =	sbr.rel @!p1 .LBB2_12-.Ltmp1, $4  }
0x14: {  	[hbm:s17], [sflag:s19] =	dma.local [spmem:s11], $0x13C0  }
0x15: {  	_ =	swait.ge [sflag:s12], $0x13C0  }
0x16: {  	[sflag:s12] =	ssyncset.done $0x0  }
0x17: {  	[sflag:s12] =	ssyncadd.s32 $0xFFFFEC40  }
.LBB2_1:
0x18: {  	[spmem:s11], [sflag:s7] =	dma.local [hbm:s2], $0x13C0  }
0x19: {  	[tilespmem:s4], [sflag:$0xD] =	stream.linear.gather [hbm4b:s8+s4], $0x5000, $0x38;
	[tilespmem:$0x1FE00] =	vst v63  }
0x1a: {  	_ =	swait.ge [sflag:s12], $0x5000  }
0x1b: {  	[sflag:s12] =	ssyncset.done $0x0  }
.Ltmp2:
0x1c: {  	[sflag:s12] =	ssyncadd.s32 $0xFFFFB000;
	(pc) =	sbr.rel @p0 .LBB2_5-.Ltmp2, $4  }
0x1d: {  	[tilespmem:s13], [sflag:$0xD] =	stream.linear.gather [hbm4b:s9+s4], $0x5000, $0x38;
	[tilespmem:$0x1FE00] =	vst v63  }
0x1e: {  	_ =	swait.ge [sflag:s12], $0x5000  }
0x1f: {  	[sflag:s12] =	ssyncset.done $0x0  }
0x20: {  	[sflag:s12] =	ssyncadd.s32 $0xFFFFB000  }
0x21: {  	s19 =	simm.s32 $0x70  }
0x22: {  	v2 =	vld [tilespmem:s19+$0xFFFFFF90]  }
0x23: {  	v4 =	vld [tilespmem:s19+$0xFFFFFFA0]  }
0x24: {  	v3 =	vld [tilespmem:s19+$0xFFFFFFB0]  }
0x25: {  	v1 =	vld [tilespmem:s19+$0xFFFFFFC0]  }
0x26: {  	v0 =	vld [tilespmem:s19+$0xFFFFFFD0]  }
0x27: {  	s20 =	simm.s32 $0x3C0;
	v5 =	vadd.s32 $0x1, v2;
	v2 =	vld [tilespmem:s19+$0xFFFFFFE0]  }
.LBB2_3:
0x28: {  	p1 =	sne.s32 s20, $0x13FC0;
	[tilespmem:s19+$0xFFFFFF90] =	vst v5;
	v4 =	vadd.s32 $0x1, v4;
	v5 =	vld [tilespmem:s19+$0x0]  }
0x29: {  	s21 =	sshra.s32 s20, $0x2;
	[tilespmem:s19+$0xFFFFFFA0] =	vst v4;
	v3 =	vadd.s32 $0x1, v3;
	v6 =	vld [tilespmem:s19+$0xFFFFFFF0]  }
0x2a: {  	v7 =	vld [tilespmem:s21+$0xFFFFFF90];
	[tilespmem:s19+$0xFFFFFFB0] =	vst v3;
	v1 =	vadd.s32 $0x1, v1  }
.Ltmp3:
0x2b: {  	v4 =	vld [tilespmem:s21+$0xFFFFFFA0];
	[tilespmem:s19+$0xFFFFFFC0] =	vst v1;
	v0 =	vadd.s32 $0x1, v0;
	(pc) =	sbr.rel @p1 .LBB2_3-.Ltmp3, $4  }
0x2c: {  	v3 =	vld [tilespmem:s21+$0xFFFFFFB0];
	[tilespmem:s19+$0xFFFFFFD0] =	vst v0;
	v0 =	vadd.s32 $0x1, v2  }
0x2d: {  	v1 =	vld [tilespmem:s21+$0xFFFFFFC0];
	[tilespmem:s19+$0xFFFFFFE0] =	vst v0;
	v2 =	vadd.s32 $0x1, v5  }
0x2e: {  	v0 =	vld [tilespmem:s21+$0xFFFFFFD0];
	v6 =	vadd.s32 $0x1, v6;
	[tilespmem:s19+$0x0] =	vst v2  }
0x2f: {  	s20 =	sadd.s32 $0x200, s20;
	v5 =	vadd.s32 $0x1, v7;
	v2 =	vld [tilespmem:s21+$0xFFFFFFE0];
	[tilespmem:s19+$0xFFFFFFF0] =	vst v6;
	s19 =	smov.u32 s21  }
0x30: {  	[tilespmem:s19+$0xFFFFFF90] =	vst v5;
	v4 =	vadd.s32 $0x1, v4;
	v59 =	vld [tilespmem:s19+$0x0]  }
0x31: {  	v60 =	vld [tilespmem:s19+$0xFFFFFFF0];
	[tilespmem:s19+$0xFFFFFFA0] =	vst v4;
	v3 =	vadd.s32 $0x1, v3  }
0x32: {  	[tilespmem:s19+$0xFFFFFFB0] =	vst v3;
	v1 =	vadd.s32 $0x1, v1  }
0x33: {  	[tilespmem:s19+$0xFFFFFFC0] =	vst v1;
	v0 =	vadd.s32 $0x1, v0  }
0x34: {  	[tilespmem:s19+$0xFFFFFFD0] =	vst v0;
	v61 =	vadd.s32 $0x1, v2  }
0x35: {  	[tilespmem:s19+$0xFFFFFFE0] =	vst v61;
	v62 =	vadd.s32 $0x1, v59  }
0x36: {  	v63 =	vadd.s32 $0x1, v60;
	[tilespmem:s19+$0x0] =	vst v62  }
0x37: {  	[tilespmem:s19+$0xFFFFFFF0] =	vst v63  }
.LBB2_5:
.Ltmp4:
0x38: {  	_ =	swait.ge [sflag:s14], $0x13C0;
	(pc) =	sbr.rel .LBB2_6-.Ltmp4, $4  }
0x39: {  	[sflag:s14] =	ssyncset.done $0x0  }
0x3a: {  	[sflag:s14] =	ssyncadd.s32 $0xFFFFEC40  }
0x3b: {  	[bflag:$0x0] =	sbarrier.arrive $0xFFFF  }
0x3c: {  	s19 =	simm.s32 $0x0;
	s20 =	simm.s32 $0xFFFFFFFB;
	s21 =	simm.s32 $0x4D80  }
.LBB2_7:
0x3d: {  	s24 =	sadd.s32 $0x7, s22  }
0x3e: {  	p1 =	sgt.u32 s23, $0x9F;
	_ =	swait.ge [sflag:s24], $0x2000  }
0x3f: {  	s23 =	sshll.u32 @!p1 s22, $0xD;
	s22 =	sadd.s32 @!p1 $0x1, s22;
	[sflag:s24] =	ssyncset.done $0x0  }
0x40: {  	s23 =	sadd.s32 @!p1 $0xA000, s23;
	[sflag:s24] =	ssyncadd.s32 $0xFFFFE000;
	s24 =	simm.s32 @!p1 $0x80  }
0x41: {  	[tilespmem:s23], [sflag:s22] =	stream.indirect.gather @!p1 [hbm4b:s5+s24], $0x40, s19, s24, $0xb8;
	[tilespmem:$0x1FE00] =	vst v63  }
.LBB2_9:
0x42: {  	s22 =	sand.u32 $0xFF, s20  }
0x43: {  	s22 =	smul.u32 $0xAB, s22;
	_ =	sdelay $0x1  }
0x44: {  	s22 =	sshrl.u32 s22, $0xA  }
0x45: {  	s22 =	smul.u32 $0x6, s22;
	_ =	sdelay $0x1  }
0x46: {  	s22 =	ssub.s32 s20, s22  }
0x47: {  	s22 =	sand.u32 $0xFF, s22  }
0x48: {  	s23 =	sadd.s32 $0x1, s22  }
0x49: {  	_ =	swait.ge [sflag:s23], $0x2000  }
0x4a: {  	s24 =	sshll.u32 s22, $0xD;
	[sflag:s23] =	ssyncset.done $0x0  }
0x4b: {  	s22 =	sadd.s32 $0x7, s22;
	s24 =	sadd.s32 $0xA000, s24;
	[sflag:s23] =	ssyncadd.s32 $0xFFFFE000  }
0x4c: {  	[spmem:s3] =	stream.indirect.scatter.add.f32 [tilespmem:s24], [sflag:s22], $0x40, s21, s15, $0xb8;
	[tilespmem:$0x1FE00] =	vst v63  }
.LBB2_10:
0x4d: {  	s20 =	sadd.s32 $0x1, s20  }
0x4e: {  	p1 =	sne.s32 s20, $0xA0  }
.Ltmp5:
0x4f: {  	_ = 	snop;
	(pc) =	sbr.rel @!p1 .LBB2_11-.Ltmp5, $2  }
0x50: {  	_ =	sdelay $0x2  }
0x51: {  	s19 =	sadd.s32 $0x80, s19;
	s21 =	sadd.s32 $0x80, s21  }
.LBB2_6:
0x52: {  	s23 =	sadd.s32 $0x5, s20  }
0x53: {  	s22 =	smul.u32 $0xAB, s23;
	_ =	sdelay $0x1  }
0x54: {  	p1 =	slt.u32 s23, $0x6;
	s22 =	sshrl.u32 s22, $0xA  }
.Ltmp6:
0x55: {  	s22 =	sand.u32 $0x3F, s22;
	(pc) =	sbr.rel @!p1 .LBB2_7-.Ltmp6, $3  }
0x56: {  	s22 =	smul.u32 $0x6, s22;
	_ =	sdelay $0x1  }
0x57: {  	s22 =	ssub.s32 s23, s22  }
0x58: {  	s22 =	sand.u32 $0xFF, s22  }
0x59: {  	p1 =	sne.s32 s20, $0x0  }
.Ltmp7:
0x5a: {  	_ = 	snop;
	(pc) =	sbr.rel @p1 .LBB2_10-.Ltmp7, $4  }
.Ltmp8:
0x5b: {  	_ = 	snop;
	(pc) =	sbr.rel @!p1 .LBB2_9-.Ltmp8, $4  }
0x5c: {  	s23 =	sshll.u32 s22, $0xD  }
0x5d: {  	s31 =	sadd.s32 $0x1, s22;
	s23 =	sadd.s32 $0xA000, s23  }
0x5e: {  	[tilespmem:s23], [sflag:s31] =	stream.indirect.gather [hbm4b:s5+s15], $0x40, s19, s15, $0xb8;
	[tilespmem:$0x1FE00] =	vst v63  }
0x5f: {  	_ = 	snop  }
.LBB2_12:
0x60: {  	_ =	sfence.sel $0x180000  }
0x61: {  	[bflag:$0x0] =	sbarrier.arrive $0xFFFF  }
0x62: {  	p0 =	sne.s32 s1, $0x0;
	_ =	strace $0x9000004D  }
0x63: {  	s0 =	sadd.s32 @!p0 $0x100000, s0;
	[bflag:$0x2] =	sbarrier.arrive $0xFFFF  }
0x64: {  	[sflag:s0] =	ssyncadd.tile.s32 @!p0 $0x1;
	_ =	shalt  }
.Lfunc_end2:
_tile_overlayer_lowered:
.L_overlay_start_2:
0x65: {  	(tag) =	ssettag $0x2  }
0x66: {  	s0 =	rddreg [dreg:$0x0];
	s2 =	stileid.u32  }
0x67: {  	s1 =	rddreg [dreg:$0x1];
	p0 =	sne.s32 s2, $0x0  }
0x68: {  	s3 =	rddreg [dreg:$0x2];
	[bflag:$0x3] =	sbarrier.arrive $0xFFFF;
	s2 =	simm.s32 @!p0 $0x1C0D  }
0x69: {  	[timem:s3], [sflag:s2] =	dma.local @!p0 [hbm:s0], s1  }
0x6a: {  	s0 =	simm.s32 @!p0 $0xD  }
0x6b: {  	_ =	swait.ge @!p0 [sflag:s0], s1  }
0x6c: {  	s1 =	ssub.s32 @!p0 $0x0, s1;
	[sflag:s0] =	ssyncset.done @!p0 $0x0  }
0x6d: {  	[sflag:s0] =	ssyncadd.s32 @!p0 s1  }
0x6e: {  	[bflag:$0x3] =	sbarrier.arrive $0xFFFF  }
0x6f: {  	_ =	shalt  }

// kernel: kernel.8.cloned.1.call-start
scs
__scs_entry_jumppad:
0x0: {  	(pc) =	sbr.rel $0x88, $3  }
0x1: {  	(tag) =	ssettag $0x0;
	lr =	simm.s32 $0x1  }
0x2: {  	[smem:$0x3F8C] =	sst lr;
	_ =	strace $0xD0000000  }
0x3: {  	_ = 	snop  }
0x4: {  	_ = 	snop  }
0x5: {  	_ = 	snop  }
0x6: {  	_ = 	snop  }
0x7: {  	_ = 	snop  }
__scs_overlays_trampoline_lowered:
0x8: {  	[smem:$0x3F9B] =	sst s0  }
0x9: {  	[smem:$0x3F9C] =	sst s1  }
0xa: {  	[smem:$0x3F9D] =	sst s2  }
0xb: {  	[smem:$0x3F9E] =	sst s3  }
0xc: {  	[smem:$0x3F9F] =	sst s4  }
0xd: {  	[smem:$0x3FA0] =	sst s5  }
0xe: {  	[smem:$0x3FA1] =	sst s6  }
0xf: {  	[smem:$0x3FA2] =	sst s7  }
0x10: {  	[smem:$0x3FA3] =	sst s8  }
0x11: {  	[smem:$0x3FA4] =	sst s9;
	s0 =	simm.s32 @!p0 $0x0  }
0x12: {  	s1 =	sld [smem:$0x3F8A];
	s0 =	simm.s32 @p0 $0x1  }
0x13: {  	[smem:$0x3FA5] =	sst s0;
	s0 =	simm.s32 @!p1 $0x0  }
0x14: {  	s2 =	sld [smem:$0x3F89];
	s0 =	simm.s32 @p1 $0x1  }
0x15: {  	[smem:$0x3FA6] =	sst s0;
	s0 =	simm.s32 @!p2 $0x0  }
0x16: {  	s3 =	sld [smem:$0x3FDB];
	s0 =	simm.s32 @p2 $0x1  }
0x17: {  	s4 =	simm.s32 $0x1BF5;
	[smem:$0x3FA8] =	sst s0  }
0x18: {  	s0 =	sld [smem:$0x3F8B];
	_ =	swait.ge [sflag:s4], $0x0  }
0x19: {  	s7 =	sld [smem:$0x3F8C]  }
0x1a: {  	s8 =	sadd.s32 $0xFFFFE003, lr  }
0x1b: {  	s9 =	sadd.s32 $0xFFFFFEF7, lr;
	s5 =	simm.s32 $0xFFFFFFFF;
	p2 =	slt.u32 s8, $0xFFFFF086  }
0x1c: {  	p1 =	slt.u32 s9, $0xF7A;
	s5 =	simm.s32 @!p2 $0x0  }
0x1d: {  	s5 =	simm.s32 @p1 $0x1;
	p0 =	seq.s32 s7, s2  }
0x1e: {  	s7 =	smul.u32 @!p0 $0xF7A, s2;
	p2 =	seq.s32 @!p0 s5, $0x0  }
0x1f: {  	s9 =	smul.u32 $0xF7A, s1;
	s8 =	simm.s32 @!p0 $0x1BF5;
	p2 =	por !p2, p0  }
0x20: {  	[sflag:s8] =	ssyncset.s32 @!p0 $0xFFFFF086;
	s6 =	sadd.s32 @!p0 s3, s7;
	s7 =	simm.s32 @!p0 $0x108  }
0x21: {  	s3 =	sadd.s32 s3, s9;
	s6 =	sadd.s32 @!p0 $0x88, s6;
	s7 =	simm.s32 @p2 $0x1082  }
0x22: {  	[simem:s7], [sflag:s8] =	dma.local @!p0 [hbm:s6], $0xF7A  }
0x23: {  	s9 =	sor.u32 $0xD0000000, s2;
	s6 =	simm.s32 $0x108;
	_ =	swait.ge @!p0 [sflag:s8], $0x0  }
0x24: {  	s3 =	sadd.s32 $0x88, s3;
	s6 =	simm.s32 @!p1 $0x1082;
	[sflag:s4] =	ssyncset.s32 $0xFFFFF086  }
0x25: {  	[simem:s6], [sflag:s4] =	dma.local [hbm:s3], $0xF7A  }
0x26: {  	[smem:$0x3F8C] =	sst s1;
	(tag) =	ssettag s2;
	_ =	strace s9  }
0x27: {  	s1 =	sld [smem:$0x3F9C]  }
0x28: {  	s2 =	sld [smem:$0x3F9D]  }
0x29: {  	s4 =	sld [smem:$0x3F9F]  }
0x2a: {  	p0 =	seq.s32 s5, $0x0;
	s5 =	sld [smem:$0x3FA0]  }
0x2b: {  	s6 =	sld [smem:$0x3FA1]  }
0x2c: {  	s7 =	sld [smem:$0x3FA2]  }
0x2d: {  	s3 =	simm.s32 $0x108;
	s8 =	sld [smem:$0x3FA3]  }
0x2e: {  	s3 =	simm.s32 @!p0 $0x1082;
	s9 =	sld [smem:$0x3FA4]  }
0x2f: {  	lr =	sadd.s32 s0, s3;
	s0 =	sld [smem:$0x3F9B]  }
0x30: {  	s3 =	sld [smem:$0x3F9E]  }
0x31: {  	[smem:$0x3FA7] =	sst s10  }
0x32: {  	s10 =	sld [smem:$0x3FA5];
	_ =	sdelay $0x3  }
0x33: {  	p0 =	seq.s32 s10, $0x1;
	s10 =	sld [smem:$0x3FA7];
	_ =	sdelay $0x3  }
0x34: {  	[smem:$0x3FA7] =	sst s10  }
0x35: {  	s10 =	sld [smem:$0x3FA6];
	_ =	sdelay $0x3  }
0x36: {  	p1 =	seq.s32 s10, $0x1;
	s10 =	sld [smem:$0x3FA7];
	_ =	sdelay $0x3  }
0x37: {  	[smem:$0x3FA7] =	sst s10  }
0x38: {  	s10 =	sld [smem:$0x3FA8]  }
0x39: {  	_ = 	snop;
	(pc) =	sbr.ind lr, $3  }
0x3a: {  	_ = 	snop  }
0x3b: {  	_ = 	snop  }
0x3c: {  	p2 =	seq.s32 s10, $0x1;
	s10 =	sld [smem:$0x3FA7]  }
0x3d: {  	_ =	shalt  }
0x3e: {  	_ =	shalt  }
0x3f: {  	_ =	shalt  }
0x40: {  	_ =	shalt  }
0x41: {  	_ =	shalt  }
0x42: {  	_ =	shalt  }
0x43: {  	_ =	shalt  }
0x44: {  	_ =	shalt  }
0x45: {  	_ =	shalt  }
0x46: {  	_ =	shalt  }
0x47: {  	_ =	shalt  }
0x48: {  	_ =	shalt  }
0x49: {  	_ =	shalt  }
0x4a: {  	_ =	shalt  }
0x4b: {  	_ =	shalt  }
0x4c: {  	_ =	shalt  }
0x4d: {  	_ =	shalt  }
0x4e: {  	_ =	shalt  }
0x4f: {  	_ =	shalt  }
0x50: {  	_ =	shalt  }
0x51: {  	_ =	shalt  }
0x52: {  	_ =	shalt  }
0x53: {  	_ =	shalt  }
0x54: {  	_ =	shalt  }
0x55: {  	_ =	shalt  }
0x56: {  	_ =	shalt  }
0x57: {  	_ =	shalt  }
0x58: {  	_ =	shalt  }
0x59: {  	_ =	shalt  }
0x5a: {  	_ =	shalt  }
0x5b: {  	_ =	shalt  }
0x5c: {  	_ =	shalt  }
0x5d: {  	_ =	shalt  }
0x5e: {  	_ =	shalt  }
0x5f: {  	_ =	shalt  }
0x60: {  	_ =	shalt  }
0x61: {  	_ =	shalt  }
0x62: {  	_ =	shalt  }
0x63: {  	_ =	shalt  }
0x64: {  	_ =	shalt  }
0x65: {  	_ =	shalt  }
0x66: {  	_ =	shalt  }
0x67: {  	_ =	shalt  }
0x68: {  	_ =	shalt  }
0x69: {  	_ =	shalt  }
0x6a: {  	_ =	shalt  }
0x6b: {  	_ =	shalt  }
0x6c: {  	_ =	shalt  }
0x6d: {  	_ =	shalt  }
0x6e: {  	_ =	shalt  }
0x6f: {  	_ =	shalt  }
0x70: {  	_ =	shalt  }
0x71: {  	_ =	shalt  }
0x72: {  	_ =	shalt  }
0x73: {  	_ =	shalt  }
0x74: {  	_ =	shalt  }
0x75: {  	_ =	shalt  }
0x76: {  	_ =	shalt  }
0x77: {  	_ =	shalt  }
0x78: {  	_ =	shalt  }
0x79: {  	_ =	shalt  }
0x7a: {  	_ =	shalt  }
0x7b: {  	_ =	shalt  }
0x7c: {  	_ =	shalt  }
0x7d: {  	_ =	shalt  }
0x7e: {  	_ =	shalt  }
0x7f: {  	_ =	shalt  }
0x80: {  	_ =	shalt  }
0x81: {  	_ =	shalt  }
0x82: {  	_ =	shalt  }
0x83: {  	_ =	shalt  }
0x84: {  	_ =	shalt  }
0x85: {  	_ =	shalt  }
0x86: {  	_ =	shalt  }
0x87: {  	_ =	shalt  }
.Lfunc_end0:
.L_simem_size_0:
called_computation_lowered:
.L_overlay_start_0:
0x88: {  	s2 =	sld [smem:$0x3FD9]  }
0x89: {  	s3 =	sld [smem:$0x3FFE];
	_ =	sdelay $0x1  }
0x8a: {  	s1 =	srdreg.scid  }
0x8b: {  	s0 =	sand.u32 $0x1, s1  }
0x8c: {  	s14 =	sshll.u32 s0, $0xA;
	s2 =	sadd.s32 s3, s2  }
0x8d: {  	s2 =	sadd.s32 s2, s14  }
0x8e: {  	[smem:$0x3FB3] =	sst s2  }
0x8f: {  	_ = 	snop  }
0x90: {  	s2 =	sld [smem:$0x3FD0];
	_ =	sdelay $0x2  }
0x91: {  	s4 =	simm.s32 $0xA;
	s5 =	simm.s32 $0x10;
	s15 =	sld [smem:$0x3FC9]  }
0x92: {  	[smem:s5], [sflag:s4] =	dma.local [hbm:s2], $0x1  }
0x93: {  	_ =	swait.eq [sflag:s4], $0x1  }
0x94: {  	[sflag:s4] =	ssyncset.done $0x0  }
0x95: {  	[sflag:s4] =	ssyncadd.s32 $0xFFFFFFFF  }
0x96: {  	s16 =	sld [smem:$0x10];
	(tm) =	ssettm $0x1  }
0x97: {  	s17 =	sld [smem:$0x3FFB];
	_ =	sdelay $0x3  }
0x98: {  	_ =	strace s17  }
0x99: {  	s4 =	sld [smem:$0x3FFC];
	_ =	sdelay $0x3  }
0x9a: {  	_ =	strace s4  }
0x9b: {  	s4 =	sld [smem:$0x3FFD];
	_ =	sdelay $0x3  }
0x9c: {  	_ =	strace s4  }
0x9d: {  	_ =	strace $0x8FFFFFFF  }
0x9e: {  	s18 =	sld [smem:$0x3FDB];
	_ =	sdelay $0x1  }
0x9f: {  	s19 =	simm.s32 $_scs_section_size  }
0xa0: {  	s6 =	simm.s32 $_size__tile_overlayer_lowered;
	s7 =	simm.s32 $_tile_overlayer_lowered  }
0xa1: {  	s22 =	simm.s32 $0x1BFF;
	s21 =	sshll.u32 s7, $0x1;
	s4 =	sadd.s32 s19, s18  }
0xa2: {  	s8 =	simm.s32 $0x0;
	s20 =	sshll.u32 s6, $0x1;
	s6 =	sadd.s32 s21, s4  }
0xa3: {  	[timem:s8], [sflag:s22] =	dma.local [hbm:s6], s20  }
0xa4: {  	_ =	swait.ge [sflag:s22], s20  }
0xa5: {  	s5 =	ssub.s32 $0x0, s20;
	[sflag:s22] =	ssyncset.done $0x0  }
0xa6: {  	[sflag:s22] =	ssyncadd.s32 s5;
	_ =	sdelay $0x1  }
0xa7: {  	s23 =	simm.s32 $0x1B8B  }
0xa8: {  	_ =	swait.ge [sflag:s23], $0x1  }
0xa9: {  	[sflag:s23] =	ssyncset.done $0x0  }
0xaa: {  	s25 =	simm.s32 $0x1B8E;
	s24 =	sld [smem:$0x3FFE];
	[sflag:s23] =	ssyncadd.s32 $0xFFFFFFFF  }
0xab: {  	s26 =	simm.s32 $execute0_lowered;
	[smem:$0x3FD2] =	sst s25  }
0xac: {  	s6 =	sshll.u32 s26, $0x1;
	_ =	strace $0x80000046;
	[dreg:$0x1] =	wrdreg $0xFFFFFFFF  }
0xad: {  	s28 =	simm.s32 $_size_execute0_lowered;
	s4 =	sadd.s32 s4, s6;
	[dreg:$0x0] =	wrdreg $0x0  }
0xae: {  	s6 =	sshll.u32 s28, $0x1;
	[dreg:$0x2] =	wrdreg s4  }
0xaf: {  	[dreg:$0x3] =	wrdreg s6  }
0xb0: {  	[dreg:$0x4] =	wrdreg $0xC0  }
0xb1: {  	_ =	task [dreg:s8], $0x5FFFF  }
0xb2: {  	[dreg:$0x1] =	wrdreg $0xFFFFFFFF  }
0xb3: {  	[dreg:$0x0] =	wrdreg $0x60  }
0xb4: {  	[dreg:$0x2] =	wrdreg s15  }
0xb5: {  	[dreg:$0x3] =	wrdreg s24  }
0xb6: {  	[dreg:$0x4] =	wrdreg s16  }
0xb7: {  	[dreg:$0x5] =	wrdreg $0x160000  }
0xb8: {  	[dreg:$0x6] =	wrdreg $0x9  }
0xb9: {  	_ =	task.clear_ibuf [dreg:s8], $0x7FFFF;
	_ =	strace $0x90000046  }
0xba: {  	s29 =	simm.s32 $0x9;
	_ =	strace $0x80000048  }
0xbb: {  	_ =	swait.ge [sflag:s29], $0x1  }
0xbc: {  	[sflag:s29] =	ssyncadd.s32 $0xFFFFFFFF  }
0xbd: {  	_ =	strace $0x90000048  }
0xbe: {  	_ =	sfence  }
0xbf: {  	s30 =	sld [smem:$0x0];
	_ =	sdelay $0x2  }
0xc0: {  	s31 =	sshll.u32 s1, $0xD;
	s1 =	sshrl.u32 s1, $0x2  }
0xc1: {  	s3 =	sand.u32 $0x4000, s31;
	s1 =	sadd.s32 s1, s30  }
0xc2: {  	s0 =	sor.u32 s3, s0;
	s1 =	sshll.u32 s1, $0x11  }
0xc3: {  	s0 =	sor.u32 s1, s0  }
0xc4: {  	s0 =	sadd.s32 $0x8F2B, s0  }
0xc5: {  	[sflag:s0] =	ssyncadd.remote.s32 $0x1  }
0xc6: {  	_ =	sfence.sel $0xFFFF  }
0xc7: {  	[dreg:$0x0] =	wrdreg $0xFFFFFFFF;
	(pc) =	sbr.abs _section_cstart, $3  }
0xc8: {  	[dreg:$0x1] =	wrdreg $0xFFFFFFFF  }
0xc9: {  	_ =	task.clear_ibuf [dreg:s8], $0x2FFFF;
	_ =	strace $0x9FFFFFFF  }
0xca: {  	(tm) =	ssettm $0x7FFFFFFF  }
0xcb: {  	_ =	shalt  }
tec
execute0_lowered:
.L_overlay_start_1:
0x0: {  	(tag) =	ssettag $0x1  }
0x1: {  	s1 =	rddreg [dreg:$0x0]  }
0x2: {  	s6 =	rddreg [dreg:$0x1]  }
0x3: {  	s3 =	rddreg [dreg:$0x2]  }
0x4: {  	s4 =	rddreg [dreg:$0x3]  }
0x5: {  	s0 =	rddreg [dreg:$0x4]  }
0x6: {  	s2 =	stileid.u32;
	s7 =	srdreg.scid  }
0x7: {  	s5 =	simm.s32 $0x0;
	s16 =	simm.s32 $0xA;
	s8 =	smul.u32 $0xA00, s2  }
0x8: {  	s11 =	sand.u32 $0x1, s7;
	[smem:$0x7FF] =	sst s5;
	s10 =	smul.u32 $0x9E00, s2  }
0x9: {  	s7 =	smul.u32 $0x13C00, s11;
	_ =	strace $0x80000047;
	s9 =	ssub.s32 $0x2, s11  }
0xa: {  	p0 =	seq.s32 s11, $0x0;
	s12 =	sadd.s32 s8, s6;
	s31 =	sshrl.u32 s9, $0x1  }
0xb: {  	s15 =	sadd.s32 s10, s4;
	s18 =	sshrl.u32 s10, $0x3;
	s13 =	sadd.s32 s7, s6  }
.Ltmp0:
0xc: {  	s14 =	ssub.s32 s9, s31;
	s6 =	sshll.u32 s2, $0x6;
	(pc) =	sbr.rel .LBB2_1-.Ltmp0, $4  }
0xd: {  	s8 =	sadd.s32 $0xB200, s12;
	s9 =	sadd.s32 $0x1200, s12;
	s11 =	sshrl.u32 s15, $0x3  }
0xe: {  	s12 =	simm.s32 $0xD;
	s15 =	simm.s32 $0x80;
	s7 =	sor.u32 $0x1C01, s6  }
0xf: {  	s17 =	sadd.s32 $0x15200, s13;
	s10 =	smax.u32 s14, $0x1;
	s13 =	simm.s32 $0x5000  }
0x10: {  	s14 =	simm.s32 $0x1;
	s17 =	sadd.s32 s18, s17;
	s18 =	simm.s32 $0x0  }
.LBB2_11:
0x11: {  	_ =	swait.ge [sflag:s16], $0x2000  }
0x12: {  	s18 =	sadd.s32 $0x1, s18;
	[sflag:s16] =	ssyncset.done $0x0  }
0x13: {  	p1 =	sne.s32 s18, s10;
	[sflag:s16] =	ssyncadd.s32 $0xFFFFE000  }
.Ltmp1:
0x14: {  	s19 =	sor.u32 $0x1C0D, s6;
	[bflag:$0x0] =	sbarrier.arrive $0xFFFF;
	(pc) =	sbr.rel @!p1 .LBB2_12-.Ltmp1, $4  }
0x15: {  	[hbm:s17], [sflag:s19] =	dma.local [spmem:s11], $0x13C0  }
0x16: {  	_ =	swait.ge [sflag:s12], $0x13C0  }
0x17: {  	[sflag:s12] =	ssyncset.done $0x0  }
0x18: {  	[sflag:s12] =	ssyncadd.s32 $0xFFFFEC40  }
.LBB2_1:
0x19: {  	[spmem:s11], [sflag:s7] =	dma.local [hbm:s3], $0x13C0  }
0x1a: {  	[tilespmem:s5], [sflag:$0xD] =	stream.linear.gather [hbm4b:s8+s5], $0x5000, $0x38;
	[tilespmem:$0x1FE00] =	vst v63  }
0x1b: {  	_ =	swait.ge [sflag:s12], $0x5000  }
0x1c: {  	[sflag:s12] =	ssyncset.done $0x0  }
.Ltmp2:
0x1d: {  	[sflag:s12] =	ssyncadd.s32 $0xFFFFB000;
	(pc) =	sbr.rel @p0 .LBB2_5-.Ltmp2, $4  }
0x1e: {  	[tilespmem:s13], [sflag:$0xD] =	stream.linear.gather [hbm4b:s9+s5], $0x5000, $0x38;
	[tilespmem:$0x1FE00] =	vst v63  }
0x1f: {  	_ =	swait.ge [sflag:s12], $0x5000  }
0x20: {  	[sflag:s12] =	ssyncset.done $0x0  }
0x21: {  	[sflag:s12] =	ssyncadd.s32 $0xFFFFB000  }
0x22: {  	s19 =	simm.s32 $0x70  }
0x23: {  	v2 =	vld [tilespmem:s19+$0xFFFFFF90]  }
0x24: {  	v4 =	vld [tilespmem:s19+$0xFFFFFFA0]  }
0x25: {  	v3 =	vld [tilespmem:s19+$0xFFFFFFB0]  }
0x26: {  	v1 =	vld [tilespmem:s19+$0xFFFFFFC0]  }
0x27: {  	v0 =	vld [tilespmem:s19+$0xFFFFFFD0]  }
0x28: {  	s20 =	simm.s32 $0x3C0;
	v5 =	vadd.s32 $0x1, v2;
	v2 =	vld [tilespmem:s19+$0xFFFFFFE0]  }
.LBB2_3:
0x29: {  	p1 =	sne.s32 s20, $0x13FC0;
	[tilespmem:s19+$0xFFFFFF90] =	vst v5;
	v4 =	vadd.s32 $0x1, v4;
	v5 =	vld [tilespmem:s19+$0x0]  }
0x2a: {  	s21 =	sshra.s32 s20, $0x2;
	[tilespmem:s19+$0xFFFFFFA0] =	vst v4;
	v3 =	vadd.s32 $0x1, v3;
	v6 =	vld [tilespmem:s19+$0xFFFFFFF0]  }
0x2b: {  	v7 =	vld [tilespmem:s21+$0xFFFFFF90];
	[tilespmem:s19+$0xFFFFFFB0] =	vst v3;
	v1 =	vadd.s32 $0x1, v1  }
.Ltmp3:
0x2c: {  	v4 =	vld [tilespmem:s21+$0xFFFFFFA0];
	[tilespmem:s19+$0xFFFFFFC0] =	vst v1;
	v0 =	vadd.s32 $0x1, v0;
	(pc) =	sbr.rel @p1 .LBB2_3-.Ltmp3, $4  }
0x2d: {  	v3 =	vld [tilespmem:s21+$0xFFFFFFB0];
	[tilespmem:s19+$0xFFFFFFD0] =	vst v0;
	v0 =	vadd.s32 $0x1, v2  }
0x2e: {  	v1 =	vld [tilespmem:s21+$0xFFFFFFC0];
	[tilespmem:s19+$0xFFFFFFE0] =	vst v0;
	v2 =	vadd.s32 $0x1, v5  }
0x2f: {  	v0 =	vld [tilespmem:s21+$0xFFFFFFD0];
	v6 =	vadd.s32 $0x1, v6;
	[tilespmem:s19+$0x0] =	vst v2  }
0x30: {  	s20 =	sadd.s32 $0x200, s20;
	v5 =	vadd.s32 $0x1, v7;
	v2 =	vld [tilespmem:s21+$0xFFFFFFE0];
	[tilespmem:s19+$0xFFFFFFF0] =	vst v6;
	s19 =	smov.u32 s21  }
0x31: {  	[tilespmem:s19+$0xFFFFFF90] =	vst v5;
	v4 =	vadd.s32 $0x1, v4;
	v59 =	vld [tilespmem:s19+$0x0]  }
0x32: {  	v60 =	vld [tilespmem:s19+$0xFFFFFFF0];
	[tilespmem:s19+$0xFFFFFFA0] =	vst v4;
	v3 =	vadd.s32 $0x1, v3  }
0x33: {  	[tilespmem:s19+$0xFFFFFFB0] =	vst v3;
	v1 =	vadd.s32 $0x1, v1  }
0x34: {  	[tilespmem:s19+$0xFFFFFFC0] =	vst v1;
	v0 =	vadd.s32 $0x1, v0  }
0x35: {  	[tilespmem:s19+$0xFFFFFFD0] =	vst v0;
	v61 =	vadd.s32 $0x1, v2  }
0x36: {  	[tilespmem:s19+$0xFFFFFFE0] =	vst v61;
	v62 =	vadd.s32 $0x1, v59  }
0x37: {  	v63 =	vadd.s32 $0x1, v60;
	[tilespmem:s19+$0x0] =	vst v62  }
0x38: {  	[tilespmem:s19+$0xFFFFFFF0] =	vst v63  }
.LBB2_5:
.Ltmp4:
0x39: {  	_ =	swait.ge [sflag:s14], $0x13C0;
	(pc) =	sbr.rel .LBB2_6-.Ltmp4, $4  }
0x3a: {  	[sflag:s14] =	ssyncset.done $0x0  }
0x3b: {  	[sflag:s14] =	ssyncadd.s32 $0xFFFFEC40  }
0x3c: {  	[bflag:$0x0] =	sbarrier.arrive $0xFFFF  }
0x3d: {  	s19 =	simm.s32 $0x0;
	s20 =	simm.s32 $0xFFFFFFFB;
	s21 =	simm.s32 $0x4D80  }
.LBB2_7:
0x3e: {  	s24 =	sadd.s32 $0x7, s22  }
0x3f: {  	p1 =	sgt.u32 s23, $0x9F;
	_ =	swait.ge [sflag:s24], $0x2000  }
0x40: {  	s23 =	sshll.u32 @!p1 s22, $0xD;
	s22 =	sadd.s32 @!p1 $0x1, s22;
	[sflag:s24] =	ssyncset.done $0x0  }
0x41: {  	s23 =	sadd.s32 @!p1 $0xA000, s23;
	[sflag:s24] =	ssyncadd.s32 $0xFFFFE000;
	s24 =	simm.s32 @!p1 $0x80  }
0x42: {  	[tilespmem:s23], [sflag:s22] =	stream.indirect.gather @!p1 [hbm4b:s1+s24], $0x40, s19, s24, $0xb8;
	[tilespmem:$0x1FE00] =	vst v63  }
.LBB2_9:
0x43: {  	s22 =	sand.u32 $0xFF, s20  }
0x44: {  	s22 =	smul.u32 $0xAB, s22;
	_ =	sdelay $0x1  }
0x45: {  	s22 =	sshrl.u32 s22, $0xA  }
0x46: {  	s22 =	smul.u32 $0x6, s22;
	_ =	sdelay $0x1  }
0x47: {  	s22 =	ssub.s32 s20, s22  }
0x48: {  	s22 =	sand.u32 $0xFF, s22  }
0x49: {  	s23 =	sadd.s32 $0x1, s22  }
0x4a: {  	_ =	swait.ge [sflag:s23], $0x2000  }
0x4b: {  	s24 =	sshll.u32 s22, $0xD;
	[sflag:s23] =	ssyncset.done $0x0  }
0x4c: {  	s22 =	sadd.s32 $0x7, s22;
	s24 =	sadd.s32 $0xA000, s24;
	[sflag:s23] =	ssyncadd.s32 $0xFFFFE000  }
0x4d: {  	[spmem:s4] =	stream.indirect.scatter.add.f32 [tilespmem:s24], [sflag:s22], $0x40, s21, s15, $0xb8;
	[tilespmem:$0x1FE00] =	vst v63  }
.LBB2_10:
0x4e: {  	s20 =	sadd.s32 $0x1, s20  }
0x4f: {  	p1 =	sne.s32 s20, $0xA0  }
.Ltmp5:
0x50: {  	_ = 	snop;
	(pc) =	sbr.rel @!p1 .LBB2_11-.Ltmp5, $2  }
0x51: {  	_ =	sdelay $0x2  }
0x52: {  	s19 =	sadd.s32 $0x80, s19;
	s21 =	sadd.s32 $0x80, s21  }
.LBB2_6:
0x53: {  	s23 =	sadd.s32 $0x5, s20  }
0x54: {  	s22 =	smul.u32 $0xAB, s23;
	_ =	sdelay $0x1  }
0x55: {  	p1 =	slt.u32 s23, $0x6;
	s22 =	sshrl.u32 s22, $0xA  }
.Ltmp6:
0x56: {  	s22 =	sand.u32 $0x3F, s22;
	(pc) =	sbr.rel @!p1 .LBB2_7-.Ltmp6, $3  }
0x57: {  	s22 =	smul.u32 $0x6, s22;
	_ =	sdelay $0x1  }
0x58: {  	s22 =	ssub.s32 s23, s22  }
0x59: {  	s22 =	sand.u32 $0xFF, s22  }
0x5a: {  	p1 =	sne.s32 s20, $0x0  }
.Ltmp7:
0x5b: {  	_ = 	snop;
	(pc) =	sbr.rel @p1 .LBB2_10-.Ltmp7, $4  }
.Ltmp8:
0x5c: {  	_ = 	snop;
	(pc) =	sbr.rel @!p1 .LBB2_9-.Ltmp8, $4  }
0x5d: {  	s23 =	sshll.u32 s22, $0xD  }
0x5e: {  	s31 =	sadd.s32 $0x1, s22;
	s23 =	sadd.s32 $0xA000, s23  }
0x5f: {  	[tilespmem:s23], [sflag:s31] =	stream.indirect.gather [hbm4b:s1+s15], $0x40, s19, s15, $0xb8;
	[tilespmem:$0x1FE00] =	vst v63  }
0x60: {  	_ = 	snop  }
.LBB2_12:
0x61: {  	_ =	sfence.sel $0x180000  }
0x62: {  	[bflag:$0x0] =	sbarrier.arrive $0xFFFF  }
0x63: {  	p0 =	sne.s32 s2, $0x0;
	_ =	strace $0x90000047  }
0x64: {  	s0 =	sadd.s32 @!p0 $0x100000, s0;
	[bflag:$0x2] =	sbarrier.arrive $0xFFFF  }
0x65: {  	[sflag:s0] =	ssyncadd.tile.s32 @!p0 $0x1;
	_ =	shalt  }
.Lfunc_end2:
_tile_overlayer_lowered:
.L_overlay_start_2:
0x66: {  	(tag) =	ssettag $0x2  }
0x67: {  	s0 =	rddreg [dreg:$0x0];
	s2 =	stileid.u32  }
0x68: {  	s1 =	rddreg [dreg:$0x1];
	p0 =	sne.s32 s2, $0x0  }
0x69: {  	s3 =	rddreg [dreg:$0x2];
	[bflag:$0x3] =	sbarrier.arrive $0xFFFF;
	s2 =	simm.s32 @!p0 $0x1C0D  }
0x6a: {  	[timem:s3], [sflag:s2] =	dma.local @!p0 [hbm:s0], s1  }
0x6b: {  	s0 =	simm.s32 @!p0 $0xD  }
0x6c: {  	_ =	swait.ge @!p0 [sflag:s0], s1  }
0x6d: {  	s1 =	ssub.s32 @!p0 $0x0, s1;
	[sflag:s0] =	ssyncset.done @!p0 $0x0  }
0x6e: {  	[sflag:s0] =	ssyncadd.s32 @!p0 s1  }
0x6f: {  	[bflag:$0x3] =	sbarrier.arrive $0xFFFF  }
0x70: {  	_ =	shalt  }

</sc_bundles>
